<compile_context>
chip_gen: v7x
topology: tpu7x:2x2x1
jax: 0.10.2.dev20260603
libtpu: 0.0.44.dev20260713+nightly
codegen_flags: <defaults>
</compile_context>

<pallas_src>
import functools

import jax
import jax.numpy as jnp
from jax import lax
from jax.experimental import pallas as pl
from jax.experimental.pallas import tpu as pltpu
from jax.experimental.pallas import tpu_sc as plsc

T, N, D = 2, 50000, 128
B, R, Q = 32, 20, 200
NJ = 4
WB = 6272
HALF = NJ * WB
NPAIR = T * B
NEG = R * Q
POS_PAD = 32
LANES = 16
NW = 32
PAIRS_PER_W = NPAIR // NW

_LN_POLY = (-1.9316664196629012, 3.4982118829630044, -2.4207929905996237,
            1.1047965807705125, -0.2806291682866353, 0.030102247599643327)


def _scores_mm_kernel(nv_ref, h_any, h_lo, h_hi, out_blk, hv_scr, sem):
    t = pl.program_id(0)
    j = pl.program_id(1)

    @pl.when(j == 0)
    def _gather_anchors():
        copies = [
            pltpu.make_async_copy(h_any.at[t, nv_ref[b]], hv_scr.at[b], sem)
            for b in range(B)
        ]
        for c in copies:
            c.start()
        for c in copies:
            c.wait()

    def mm16(h):
        s = lax.dot_general(
            hv_scr[...], h,
            (((1,), (1,)), ((), ())),
            preferred_element_type=jnp.float32)
        return lax.bitcast_convert_type(
            s.astype(jnp.bfloat16), jnp.uint16).astype(jnp.int32)

    out_blk[0] = mm16(h_lo[0]) | lax.shift_left(mm16(h_hi[0]), 16)


_scores_call = pl.pallas_call(
    _scores_mm_kernel,
    grid_spec=pltpu.PrefetchScalarGridSpec(
        num_scalar_prefetch=1,
        grid=(T, NJ),
        in_specs=[
            pl.BlockSpec(memory_space=pl.ANY),
            pl.BlockSpec((1, WB, D), lambda t, j, nv: (t, j, 0)),
            pl.BlockSpec((1, WB, D), lambda t, j, nv: (t, j + NJ, 0)),
        ],
        out_specs=pl.BlockSpec((1, B, WB), lambda t, j, nv: (t, 0, j)),
        scratch_shapes=[
            pltpu.VMEM((B, D), jnp.float32),
            pltpu.SemaphoreType.DMA,
        ],
    ),
    out_shape=jax.ShapeDtypeStruct((T, B, HALF), jnp.int32),
)


def _softplus16(x):
    y = 1.0 + jnp.exp(-jnp.abs(x))
    p = jnp.full((LANES,), _LN_POLY[5], jnp.float32)
    for k in range(4, -1, -1):
        p = p * y + _LN_POLY[k]
    return jnp.maximum(x, 0.0) + p


_sc_mesh = plsc.VectorSubcoreMesh(core_axis_name="c", subcore_axis_name="s")


@functools.partial(
    pl.kernel,
    out_type=jax.ShapeDtypeStruct((NW, LANES), jnp.float32),
    mesh=_sc_mesh,
    compiler_params=pltpu.CompilerParams(needs_layout_passes=False),
    scratch_types=[
        pltpu.VMEM((HALF,), jnp.int32),
        pltpu.VMEM((HALF,), jnp.int32),
        pltpu.VMEM((R, Q), jnp.int32),
        pltpu.VMEM((R, Q), jnp.int32),
        pltpu.VMEM((T, B, R), jnp.int32),
        pltpu.VMEM((LANES,), jnp.float32),
        pltpu.SemaphoreType.DMA,
        pltpu.SemaphoreType.DMA,
        pltpu.SemaphoreType.DMA,
    ],
)
def _sc_loss(scores_hbm, neg_hbm, pos_hbm, out_hbm, srow0, srow1, nidx0,
             nidx1, posb, accv, sem0, sem1, semp):
    wid = lax.axis_index("s") * 2 + lax.axis_index("c")
    p0 = wid * PAIRS_PER_W
    tb = [(lax.shift_right_logical(p, 5), p & (B - 1)) for p in (p0, p0 + 1)]
    c_r0 = pltpu.async_copy(scores_hbm.at[tb[0][0], tb[0][1]], srow0, sem0)
    c_n0 = pltpu.async_copy(neg_hbm.at[tb[0][0], tb[0][1]], nidx0, sem0)
    c_r1 = pltpu.async_copy(scores_hbm.at[tb[1][0], tb[1][1]], srow1, sem1)
    c_n1 = pltpu.async_copy(neg_hbm.at[tb[1][0], tb[1][1]], nidx1, sem1)
    c_p = pltpu.async_copy(pos_hbm, posb, semp)

    lanes = lax.iota(jnp.int32, LANES)

    def gather_score(srow, idx):
        lo = idx < HALF
        w = plsc.load_gather(srow, [jnp.where(lo, idx, idx - HALF)])
        bits = jnp.where(lo, lax.shift_left(w, 16), w & jnp.int32(-65536))
        return plsc.bitcast(bits, jnp.float32)

    def adv(r, q):
        qn = q + LANES
        wrap = qn >= Q
        return r + wrap.astype(jnp.int32), jnp.where(wrap, qn - Q, qn)

    acc = jnp.zeros((LANES,), jnp.float32)
    for pp, (srow, nidx, c_r, c_n) in enumerate(
            ((srow0, nidx0, c_r0, c_n0), (srow1, nidx1, c_r1, c_n1))):
        c_r.wait()
        c_n.wait()

        def nbody(i, carry, srow=srow, nidx=nidx):
            a, r, q = carry
            s0 = gather_score(srow, plsc.load_gather(nidx, [r, q]))
            r, q = adv(r, q)
            s1 = gather_score(srow, plsc.load_gather(nidx, [r, q]))
            r, q = adv(r, q)
            return a + _softplus16(s0) + _softplus16(s1), r, q

        acc, _, _ = lax.fori_loop(
            0, NEG // (2 * LANES), nbody,
            (acc, jnp.zeros((LANES,), jnp.int32), lanes))

        if pp == 0:
            c_p.wait()
        ti = jnp.full((LANES,), tb[pp][0], jnp.int32)
        bi = jnp.full((LANES,), tb[pp][1], jnp.int32)
        pidx0 = plsc.load_gather(posb, [ti, bi, lanes])
        acc = acc + _softplus16(-gather_score(srow, pidx0))
        valid = lanes < (R - LANES)
        ri = jnp.where(valid, lanes + LANES, 0)
        pidx1 = jnp.where(valid, plsc.load_gather(posb, [ti, bi, ri]), 0)
        acc = acc + jnp.where(
            valid, _softplus16(-gather_score(srow, pidx1)), 0.0)

    accv[...] = acc * (1.0 / (T * B * R))
    pltpu.sync_copy(accv, out_hbm.at[wid])


def kernel(node_vs, H_ts_train, pos_node_us, neg_node_us):
    scores = _scores_call(node_vs, H_ts_train, H_ts_train, H_ts_train)
    partials = _sc_loss(scores, neg_node_us, pos_node_us)
    return jnp.sum(partials)

# --- scband reference (transcript-rebuilt; emitter-appended) ---
"""Pipeline reference for scband-link-prediction-1417339207930 (READ-ONLY COPY).

The authoritative reference and input builder live on the scoring server;
editing this copy changes nothing except your own understanding.
"""

import jax, jax.numpy as jnp
import numpy as np

T, N, D = 2, 50000, 128
B, R, Q = 32, 20, 200


def setup_inputs(seed: int = 0) -> dict:
    key = jax.random.key(seed)
    k1, k2, k3 = jax.random.split(key, 3)
    # forward args per input_specs
    node_vs = jnp.arange(B, dtype=jnp.int32)  # unique anchor node ids, max <= num_node
    H_ts_train = jax.random.normal(k1, (T, N, D), dtype=jnp.float32)
    # The torch module performs random-walk sampling of positive/negative nodes
    # internally (CPU python + np.random). We externalize the sampled indices as
    # additional (constant) integer inputs so the tensor math is deterministic.
    pos_node_us = jax.random.randint(k2, (T, B, R), 0, N, dtype=jnp.int32)
    neg_node_us = jax.random.randint(k3, (T, B, R, Q), 0, N, dtype=jnp.int32)
    return {
        "node_vs": node_vs,
        "H_ts_train": H_ts_train,
        "pos_node_us": pos_node_us,
        "neg_node_us": neg_node_us,
    }


def reference(node_vs, H_ts_train, pos_node_us, neg_node_us):
    # Faithful vectorized translation of LinkPrediction.loss_rw with the
    # sampled random-walk pos/neg node ids provided as inputs.
    # H_ts_train: [T, N, D]; node_vs: [B]; pos: [T, B, R]; neg: [T, B, R, Q]
    Hv = H_ts_train[:, node_vs]  # [T, B, D] anchor embeddings per timestep
    gather = jax.vmap(lambda Ht, idx: Ht[idx])  # gather rows per timestep
    pos_e = gather(H_ts_train, pos_node_us)  # [T, B, R, D]
    neg_e = gather(H_ts_train, neg_node_us)  # [T, B, R, Q, D]
    # torch.mv(H[pos], H[v]) -> dot products with anchor embedding
    pos_scores = jnp.einsum('tbrd,tbd->tbr', pos_e, Hv)
    neg_scores = jnp.einsum('tbrqd,tbd->tbrq', neg_e, Hv)
    loss_pos = jnp.mean(-jnp.log(jax.nn.sigmoid(pos_scores)), axis=2)  # [T, B]
    loss_neg = jnp.float32(Q) * jnp.mean(-jnp.log(jax.nn.sigmoid(-neg_scores)), axis=(2, 3))  # [T, B]
    loss_t = jnp.mean(loss_pos + loss_neg, axis=1)  # mean over anchor nodes -> [T]
    return jnp.mean(loss_t)  # mean over timesteps (scalar)

if __name__ == "__main__":
    import jax
    _d = setup_inputs()
    print(jax.jit(kernel)(*tuple(_d.values())))

</pallas_src>

<mosaic_0001>
#map = affine_map<(d0, d1) -> (0, 0, 0)>
#map1 = affine_map<(d0, d1) -> (0, 0, 0, 0)>
#map2 = affine_map<(d0, d1) -> (0, 0)>
module attributes {stable_mosaic.version = 14 : i64} {
  func.func @_sc_loss(%arg0: i32, %arg1: i32, %arg2: memref<2x32x25088xi32, #tpu.memory_space<hbm>>, %arg3: memref<2x32x20x200xi32, #tpu.memory_space<hbm>>, %arg4: memref<2x32x20xi32, #tpu.memory_space<hbm>>, %arg5: memref<32x16xf32, #tpu.memory_space<hbm>>, %arg6: memref<25088xi32, #tpu.memory_space<vmem>>, %arg7: memref<25088xi32, #tpu.memory_space<vmem>>, %arg8: memref<20x200xi32, #tpu.memory_space<vmem>>, %arg9: memref<20x200xi32, #tpu.memory_space<vmem>>, %arg10: memref<2x32x20xi32, #tpu.memory_space<vmem>>, %arg11: memref<16xf32, #tpu.memory_space<vmem>>, %arg12: memref<!tpu.dma_semaphore, #tpu.memory_space<semaphore_mem>>, %arg13: memref<!tpu.dma_semaphore, #tpu.memory_space<semaphore_mem>>, %arg14: memref<!tpu.dma_semaphore, #tpu.memory_space<semaphore_mem>>) attributes {dimension_semantics = [#tpu.dimension_semantics<core_parallel>, #tpu.dimension_semantics<subcore_parallel>], iteration_bounds = array<i64: 2, 16>, scalar_prefetch = 0 : i64, scratch_operands = 9 : i64, tpu.core_type = #tpu.core_type<sc_vector_subcore>, window_params = [{transform_indices = #map}, {transform_indices = #map1}, {transform_indices = #map}, {transform_indices = #map2}]} {
    %mul3A = arith.constant 2 : i32
    %mul3A_0 = arith.muli %arg1, %mul3A : i32
    %add3A = arith.addi %mul3A_0, %arg0 : i32
    %mul3A_1 = arith.constant 2 : i32
    %mul3A_2 = arith.muli %add3A, %mul3A_1 : i32
    %add3A_3 = arith.constant 1 : i32
    %add3A_4 = arith.addi %mul3A_2, %add3A_3 : i32
    %shift_right_logical3A = arith.constant 5 : i32
    %shift_right_logical3A_5 = arith.shrui %mul3A_2, %shift_right_logical3A : i32
    %and3A = arith.constant 31 : i32
    %and3A_6 = arith.andi %mul3A_2, %and3A : i32
    %shift_right_logical3A_7 = arith.constant 5 : i32
    %shift_right_logical3A_8 = arith.shrui %add3A_4, %shift_right_logical3A_7 : i32
    %and3A_9 = arith.constant 31 : i32
    %and3A_10 = arith.andi %add3A_4, %and3A_9 : i32
    %dma_start3A = arith.constant 0 : i32
    %dma_start3A_11 = tpu.memref_slice %arg2[%shift_right_logical3A_5, %and3A_6, %dma_start3A] : memref<2x32x25088xi32, #tpu.memory_space<hbm>> -> memref<1x1x25088xi32, #tpu.memory_space<hbm>>
    %dma_start3A_12 = tpu.memref_squeeze %dma_start3A_11 : memref<1x1x25088xi32, #tpu.memory_space<hbm>> -> memref<25088xi32, #tpu.memory_space<hbm>>
    %dma_start3A_13 = arith.constant 0 : i32
    %dma_start3A_14 = tpu.memref_slice %arg2[%shift_right_logical3A_5, %and3A_6, %dma_start3A_13] : memref<2x32x25088xi32, #tpu.memory_space<hbm>> -> memref<1x1x25088xi32, #tpu.memory_space<hbm>>
    %dma_start3A_15 = tpu.memref_squeeze %dma_start3A_14 : memref<1x1x25088xi32, #tpu.memory_space<hbm>> -> memref<25088xi32, #tpu.memory_space<hbm>>
    tpu.enqueue_dma source(%dma_start3A_15 : memref<25088xi32, #tpu.memory_space<hbm>>) target(%arg6 : memref<25088xi32, #tpu.memory_space<vmem>>) target_semaphore(%arg12 : memref<!tpu.dma_semaphore, #tpu.memory_space<semaphore_mem>>)
    %dma_start3A_16 = arith.constant 0 : i32
    %dma_start3A_17 = arith.constant 0 : i32
    %dma_start3A_18 = tpu.memref_slice %arg3[%shift_right_logical3A_5, %and3A_6, %dma_start3A_16, %dma_start3A_17] : memref<2x32x20x200xi32, #tpu.memory_space<hbm>> -> memref<1x1x20x200xi32, #tpu.memory_space<hbm>>
    %dma_start3A_19 = tpu.memref_squeeze %dma_start3A_18 : memref<1x1x20x200xi32, #tpu.memory_space<hbm>> -> memref<20x200xi32, #tpu.memory_space<hbm>>
    %dma_start3A_20 = arith.constant 0 : i32
    %dma_start3A_21 = arith.constant 0 : i32
    %dma_start3A_22 = tpu.memref_slice %arg3[%shift_right_logical3A_5, %and3A_6, %dma_start3A_20, %dma_start3A_21] : memref<2x32x20x200xi32, #tpu.memory_space<hbm>> -> memref<1x1x20x200xi32, #tpu.memory_space<hbm>>
    %dma_start3A_23 = tpu.memref_squeeze %dma_start3A_22 : memref<1x1x20x200xi32, #tpu.memory_space<hbm>> -> memref<20x200xi32, #tpu.memory_space<hbm>>
    tpu.enqueue_dma source(%dma_start3A_23 : memref<20x200xi32, #tpu.memory_space<hbm>>) target(%arg8 : memref<20x200xi32, #tpu.memory_space<vmem>>) target_semaphore(%arg12 : memref<!tpu.dma_semaphore, #tpu.memory_space<semaphore_mem>>)
    %dma_start3A_24 = arith.constant 0 : i32
    %dma_start3A_25 = tpu.memref_slice %arg2[%shift_right_logical3A_8, %and3A_10, %dma_start3A_24] : memref<2x32x25088xi32, #tpu.memory_space<hbm>> -> memref<1x1x25088xi32, #tpu.memory_space<hbm>>
    %dma_start3A_26 = tpu.memref_squeeze %dma_start3A_25 : memref<1x1x25088xi32, #tpu.memory_space<hbm>> -> memref<25088xi32, #tpu.memory_space<hbm>>
    %dma_start3A_27 = arith.constant 0 : i32
    %dma_start3A_28 = tpu.memref_slice %arg2[%shift_right_logical3A_8, %and3A_10, %dma_start3A_27] : memref<2x32x25088xi32, #tpu.memory_space<hbm>> -> memref<1x1x25088xi32, #tpu.memory_space<hbm>>
    %dma_start3A_29 = tpu.memref_squeeze %dma_start3A_28 : memref<1x1x25088xi32, #tpu.memory_space<hbm>> -> memref<25088xi32, #tpu.memory_space<hbm>>
    tpu.enqueue_dma source(%dma_start3A_29 : memref<25088xi32, #tpu.memory_space<hbm>>) target(%arg7 : memref<25088xi32, #tpu.memory_space<vmem>>) target_semaphore(%arg13 : memref<!tpu.dma_semaphore, #tpu.memory_space<semaphore_mem>>)
    %dma_start3A_30 = arith.constant 0 : i32
    %dma_start3A_31 = arith.constant 0 : i32
    %dma_start3A_32 = tpu.memref_slice %arg3[%shift_right_logical3A_8, %and3A_10, %dma_start3A_30, %dma_start3A_31] : memref<2x32x20x200xi32, #tpu.memory_space<hbm>> -> memref<1x1x20x200xi32, #tpu.memory_space<hbm>>
    %dma_start3A_33 = tpu.memref_squeeze %dma_start3A_32 : memref<1x1x20x200xi32, #tpu.memory_space<hbm>> -> memref<20x200xi32, #tpu.memory_space<hbm>>
    %dma_start3A_34 = arith.constant 0 : i32
    %dma_start3A_35 = arith.constant 0 : i32
    %dma_start3A_36 = tpu.memref_slice %arg3[%shift_right_logical3A_8, %and3A_10, %dma_start3A_34, %dma_start3A_35] : memref<2x32x20x200xi32, #tpu.memory_space<hbm>> -> memref<1x1x20x200xi32, #tpu.memory_space<hbm>>
    %dma_start3A_37 = tpu.memref_squeeze %dma_start3A_36 : memref<1x1x20x200xi32, #tpu.memory_space<hbm>> -> memref<20x200xi32, #tpu.memory_space<hbm>>
    tpu.enqueue_dma source(%dma_start3A_37 : memref<20x200xi32, #tpu.memory_space<hbm>>) target(%arg9 : memref<20x200xi32, #tpu.memory_space<vmem>>) target_semaphore(%arg13 : memref<!tpu.dma_semaphore, #tpu.memory_space<semaphore_mem>>)
    tpu.enqueue_dma source(%arg4 : memref<2x32x20xi32, #tpu.memory_space<hbm>>) target(%arg10 : memref<2x32x20xi32, #tpu.memory_space<vmem>>) target_semaphore(%arg14 : memref<!tpu.dma_semaphore, #tpu.memory_space<semaphore_mem>>)
    %iota3A = tpu.iota {dimensions = array<i32: 0>} : vector<16xi32>
    %broadcast_in_dim3A = arith.constant 0.000000e+00 : f32
    %broadcast_in_dim3A_38 = vector.broadcast %broadcast_in_dim3A : f32 to vector<16xf32>
    %dma_wait3A = arith.constant 0 : i32
    %dma_wait3A_39 = tpu.memref_slice %arg2[%shift_right_logical3A_5, %and3A_6, %dma_wait3A] : memref<2x32x25088xi32, #tpu.memory_space<hbm>> -> memref<1x1x25088xi32, #tpu.memory_space<hbm>>
    %dma_wait3A_40 = tpu.memref_squeeze %dma_wait3A_39 : memref<1x1x25088xi32, #tpu.memory_space<hbm>> -> memref<25088xi32, #tpu.memory_space<hbm>>
    %dma_wait3A_41 = arith.constant 0 : i32
    %dma_wait3A_42 = tpu.memref_slice %arg2[%shift_right_logical3A_5, %and3A_6, %dma_wait3A_41] : memref<2x32x25088xi32, #tpu.memory_space<hbm>> -> memref<1x1x25088xi32, #tpu.memory_space<hbm>>
    %dma_wait3A_43 = tpu.memref_squeeze %dma_wait3A_42 : memref<1x1x25088xi32, #tpu.memory_space<hbm>> -> memref<25088xi32, #tpu.memory_space<hbm>>
    tpu.wait_dma2 semaphore(%arg12 : memref<!tpu.dma_semaphore, #tpu.memory_space<semaphore_mem>>) src(%dma_wait3A_43 : memref<25088xi32, #tpu.memory_space<hbm>>) dst(%arg6 : memref<25088xi32, #tpu.memory_space<vmem>>)
    %dma_wait3A_44 = arith.constant 0 : i32
    %dma_wait3A_45 = arith.constant 0 : i32
    %dma_wait3A_46 = tpu.memref_slice %arg3[%shift_right_logical3A_5, %and3A_6, %dma_wait3A_44, %dma_wait3A_45] : memref<2x32x20x200xi32, #tpu.memory_space<hbm>> -> memref<1x1x20x200xi32, #tpu.memory_space<hbm>>
    %dma_wait3A_47 = tpu.memref_squeeze %dma_wait3A_46 : memref<1x1x20x200xi32, #tpu.memory_space<hbm>> -> memref<20x200xi32, #tpu.memory_space<hbm>>
    %dma_wait3A_48 = arith.constant 0 : i32
    %dma_wait3A_49 = arith.constant 0 : i32
    %dma_wait3A_50 = tpu.memref_slice %arg3[%shift_right_logical3A_5, %and3A_6, %dma_wait3A_48, %dma_wait3A_49] : memref<2x32x20x200xi32, #tpu.memory_space<hbm>> -> memref<1x1x20x200xi32, #tpu.memory_space<hbm>>
    %dma_wait3A_51 = tpu.memref_squeeze %dma_wait3A_50 : memref<1x1x20x200xi32, #tpu.memory_space<hbm>> -> memref<20x200xi32, #tpu.memory_space<hbm>>
    tpu.wait_dma2 semaphore(%arg12 : memref<!tpu.dma_semaphore, #tpu.memory_space<semaphore_mem>>) src(%dma_wait3A_51 : memref<20x200xi32, #tpu.memory_space<hbm>>) dst(%arg8 : memref<20x200xi32, #tpu.memory_space<vmem>>)
    %broadcast_in_dim3A_52 = arith.constant 0 : i32
    %broadcast_in_dim3A_53 = vector.broadcast %broadcast_in_dim3A_52 : i32 to vector<16xi32>
    %scan3A = arith.constant 0 : i32
    %scan3A_54 = arith.constant 125 : i32
    %scan3A_55 = arith.addi %scan3A, %scan3A_54 : i32
    %scan3A_56 = arith.constant 1 : i32
    %scan3A_57:3 = scf.for %scan3A_328 = %scan3A to %scan3A_55 step %scan3A_56 iter_args(%scan3A_329 = %broadcast_in_dim3A_38, %scan3A_330 = %broadcast_in_dim3A_53, %scan3A_331 = %iota3A) -> (vector<16xf32>, vector<16xi32>, vector<16xi32>)  : i32 {
      %gather3A_332 = tpu.vector_load_idx %arg8[%scan3A_330, %scan3A_331] : memref<20x200xi32, #tpu.memory_space<vmem>>[vector<16xi32>, vector<16xi32>], vector<16xi32>,
      %lt3A_333 = arith.constant 25088 : i32
      %lt3A_334 = vector.broadcast %lt3A_333 : i32 to vector<16xi32>
      %lt3A_335 = arith.cmpi slt, %gather3A_332, %lt3A_334 : vector<16xi32>
      %sub3A_336 = arith.constant 25088 : i32
      %sub3A_337 = vector.broadcast %sub3A_336 : i32 to vector<16xi32>
      %sub3A_338 = arith.subi %gather3A_332, %sub3A_337 : vector<16xi32>
      %select_n3A_339 = arith.select %lt3A_335, %gather3A_332, %sub3A_338 : vector<16xi1>, vector<16xi32>
      %gather3A_340 = tpu.vector_load_idx %arg6[%select_n3A_339] : memref<25088xi32, #tpu.memory_space<vmem>>[vector<16xi32>], vector<16xi32>,
      %shift_left3A_341 = arith.constant 16 : i32
      %shift_left3A_342 = vector.broadcast %shift_left3A_341 : i32 to vector<16xi32>
      %shift_left3A_343 = arith.shli %gather3A_340, %shift_left3A_342 : vector<16xi32>
      %and3A_344 = arith.constant -65536 : i32
      %and3A_345 = vector.broadcast %and3A_344 : i32 to vector<16xi32>
      %and3A_346 = arith.andi %gather3A_340, %and3A_345 : vector<16xi32>
      %select_n3A_347 = arith.select %lt3A_335, %shift_left3A_343, %and3A_346 : vector<16xi1>, vector<16xi32>
      %bitcast3A_348 = vector.bitcast %select_n3A_347 : vector<16xi32> to vector<16xf32>
      %add3A_349 = arith.constant 16 : i32
      %add3A_350 = vector.broadcast %add3A_349 : i32 to vector<16xi32>
      %add3A_351 = arith.addi %scan3A_331, %add3A_350 : vector<16xi32>
      %ge3A = arith.constant 200 : i32
      %ge3A_352 = vector.broadcast %ge3A : i32 to vector<16xi32>
      %ge3A_353 = arith.cmpi sge, %add3A_351, %ge3A_352 : vector<16xi32>
      %convert_element_type3A = arith.extui %ge3A_353 : vector<16xi1> to vector<16xi32>
      %add3A_354 = arith.addi %scan3A_330, %convert_element_type3A : vector<16xi32>
      %sub3A_355 = arith.constant 200 : i32
      %sub3A_356 = vector.broadcast %sub3A_355 : i32 to vector<16xi32>
      %sub3A_357 = arith.subi %add3A_351, %sub3A_356 : vector<16xi32>
      %select_n3A_358 = arith.select %ge3A_353, %sub3A_357, %add3A_351 : vector<16xi1>, vector<16xi32>
      %gather3A_359 = tpu.vector_load_idx %arg8[%add3A_354, %select_n3A_358] : memref<20x200xi32, #tpu.memory_space<vmem>>[vector<16xi32>, vector<16xi32>], vector<16xi32>,
      %lt3A_360 = arith.constant 25088 : i32
      %lt3A_361 = vector.broadcast %lt3A_360 : i32 to vector<16xi32>
      %lt3A_362 = arith.cmpi slt, %gather3A_359, %lt3A_361 : vector<16xi32>
      %sub3A_363 = arith.constant 25088 : i32
      %sub3A_364 = vector.broadcast %sub3A_363 : i32 to vector<16xi32>
      %sub3A_365 = arith.subi %gather3A_359, %sub3A_364 : vector<16xi32>
      %select_n3A_366 = arith.select %lt3A_362, %gather3A_359, %sub3A_365 : vector<16xi1>, vector<16xi32>
      %gather3A_367 = tpu.vector_load_idx %arg6[%select_n3A_366] : memref<25088xi32, #tpu.memory_space<vmem>>[vector<16xi32>], vector<16xi32>,
      %shift_left3A_368 = arith.constant 16 : i32
      %shift_left3A_369 = vector.broadcast %shift_left3A_368 : i32 to vector<16xi32>
      %shift_left3A_370 = arith.shli %gather3A_367, %shift_left3A_369 : vector<16xi32>
      %and3A_371 = arith.constant -65536 : i32
      %and3A_372 = vector.broadcast %and3A_371 : i32 to vector<16xi32>
      %and3A_373 = arith.andi %gather3A_367, %and3A_372 : vector<16xi32>
      %select_n3A_374 = arith.select %lt3A_362, %shift_left3A_370, %and3A_373 : vector<16xi1>, vector<16xi32>
      %bitcast3A_375 = vector.bitcast %select_n3A_374 : vector<16xi32> to vector<16xf32>
      %add3A_376 = arith.constant 16 : i32
      %add3A_377 = vector.broadcast %add3A_376 : i32 to vector<16xi32>
      %add3A_378 = arith.addi %select_n3A_358, %add3A_377 : vector<16xi32>
      %ge3A_379 = arith.constant 200 : i32
      %ge3A_380 = vector.broadcast %ge3A_379 : i32 to vector<16xi32>
      %ge3A_381 = arith.cmpi sge, %add3A_378, %ge3A_380 : vector<16xi32>
      %convert_element_type3A_382 = arith.extui %ge3A_381 : vector<16xi1> to vector<16xi32>
      %add3A_383 = arith.addi %add3A_354, %convert_element_type3A_382 : vector<16xi32>
      %sub3A_384 = arith.constant 200 : i32
      %sub3A_385 = vector.broadcast %sub3A_384 : i32 to vector<16xi32>
      %sub3A_386 = arith.subi %add3A_378, %sub3A_385 : vector<16xi32>
      %select_n3A_387 = arith.select %ge3A_381, %sub3A_386, %add3A_378 : vector<16xi1>, vector<16xi32>
      %abs3A_388 = math.absf %bitcast3A_348 : vector<16xf32>
      %neg3A_389 = arith.constant 0.000000e+00 : f32
      %neg3A_390 = vector.broadcast %neg3A_389 : f32 to vector<16xf32>
      %neg3A_391 = arith.subf %neg3A_390, %abs3A_388 : vector<16xf32>
      %exp3A_392 = math.exp %neg3A_391 : vector<16xf32>
      %add3A_393 = arith.constant 1.000000e+00 : f32
      %add3A_394 = vector.broadcast %add3A_393 : f32 to vector<16xf32>
      %add3A_395 = arith.addf %add3A_394, %exp3A_392 : vector<16xf32>
      %broadcast_in_dim3A_396 = arith.constant 0.0301022474 : f32
      %broadcast_in_dim3A_397 = vector.broadcast %broadcast_in_dim3A_396 : f32 to vector<16xf32>
      %mul3A_398 = arith.mulf %broadcast_in_dim3A_397, %add3A_395 : vector<16xf32>
      %add3A_399 = arith.constant -0.280629158 : f32
      %add3A_400 = vector.broadcast %add3A_399 : f32 to vector<16xf32>
      %add3A_401 = arith.addf %mul3A_398, %add3A_400 : vector<16xf32>
      %mul3A_402 = arith.mulf %add3A_401, %add3A_395 : vector<16xf32>
      %add3A_403 = arith.constant 1.10479653 : f32
      %add3A_404 = vector.broadcast %add3A_403 : f32 to vector<16xf32>
      %add3A_405 = arith.addf %mul3A_402, %add3A_404 : vector<16xf32>
      %mul3A_406 = arith.mulf %add3A_405, %add3A_395 : vector<16xf32>
      %add3A_407 = arith.constant -2.42079306 : f32
      %add3A_408 = vector.broadcast %add3A_407 : f32 to vector<16xf32>
      %add3A_409 = arith.addf %mul3A_406, %add3A_408 : vector<16xf32>
      %mul3A_410 = arith.mulf %add3A_409, %add3A_395 : vector<16xf32>
      %add3A_411 = arith.constant 3.49821186 : f32
      %add3A_412 = vector.broadcast %add3A_411 : f32 to vector<16xf32>
      %add3A_413 = arith.addf %mul3A_410, %add3A_412 : vector<16xf32>
      %mul3A_414 = arith.mulf %add3A_413, %add3A_395 : vector<16xf32>
      %add3A_415 = arith.constant -1.93166637 : f32
      %add3A_416 = vector.broadcast %add3A_415 : f32 to vector<16xf32>
      %add3A_417 = arith.addf %mul3A_414, %add3A_416 : vector<16xf32>
      %max3A_418 = arith.constant 0.000000e+00 : f32
      %max3A_419 = vector.broadcast %max3A_418 : f32 to vector<16xf32>
      %max3A_420 = arith.maximumf %bitcast3A_348, %max3A_419 : vector<16xf32>
      %add3A_421 = arith.addf %max3A_420, %add3A_417 : vector<16xf32>
      %add3A_422 = arith.addf %scan3A_329, %add3A_421 : vector<16xf32>
      %abs3A_423 = math.absf %bitcast3A_375 : vector<16xf32>
      %neg3A_424 = arith.constant 0.000000e+00 : f32
      %neg3A_425 = vector.broadcast %neg3A_424 : f32 to vector<16xf32>
      %neg3A_426 = arith.subf %neg3A_425, %abs3A_423 : vector<16xf32>
      %exp3A_427 = math.exp %neg3A_426 : vector<16xf32>
      %add3A_428 = arith.constant 1.000000e+00 : f32
      %add3A_429 = vector.broadcast %add3A_428 : f32 to vector<16xf32>
      %add3A_430 = arith.addf %add3A_429, %exp3A_427 : vector<16xf32>
      %broadcast_in_dim3A_431 = arith.constant 0.0301022474 : f32
      %broadcast_in_dim3A_432 = vector.broadcast %broadcast_in_dim3A_431 : f32 to vector<16xf32>
      %mul3A_433 = arith.mulf %broadcast_in_dim3A_432, %add3A_430 : vector<16xf32>
      %add3A_434 = arith.constant -0.280629158 : f32
      %add3A_435 = vector.broadcast %add3A_434 : f32 to vector<16xf32>
      %add3A_436 = arith.addf %mul3A_433, %add3A_435 : vector<16xf32>
      %mul3A_437 = arith.mulf %add3A_436, %add3A_430 : vector<16xf32>
      %add3A_438 = arith.constant 1.10479653 : f32
      %add3A_439 = vector.broadcast %add3A_438 : f32 to vector<16xf32>
      %add3A_440 = arith.addf %mul3A_437, %add3A_439 : vector<16xf32>
      %mul3A_441 = arith.mulf %add3A_440, %add3A_430 : vector<16xf32>
      %add3A_442 = arith.constant -2.42079306 : f32
      %add3A_443 = vector.broadcast %add3A_442 : f32 to vector<16xf32>
      %add3A_444 = arith.addf %mul3A_441, %add3A_443 : vector<16xf32>
      %mul3A_445 = arith.mulf %add3A_444, %add3A_430 : vector<16xf32>
      %add3A_446 = arith.constant 3.49821186 : f32
      %add3A_447 = vector.broadcast %add3A_446 : f32 to vector<16xf32>
      %add3A_448 = arith.addf %mul3A_445, %add3A_447 : vector<16xf32>
      %mul3A_449 = arith.mulf %add3A_448, %add3A_430 : vector<16xf32>
      %add3A_450 = arith.constant -1.93166637 : f32
      %add3A_451 = vector.broadcast %add3A_450 : f32 to vector<16xf32>
      %add3A_452 = arith.addf %mul3A_449, %add3A_451 : vector<16xf32>
      %max3A_453 = arith.constant 0.000000e+00 : f32
      %max3A_454 = vector.broadcast %max3A_453 : f32 to vector<16xf32>
      %max3A_455 = arith.maximumf %bitcast3A_375, %max3A_454 : vector<16xf32>
      %add3A_456 = arith.addf %max3A_455, %add3A_452 : vector<16xf32>
      %add3A_457 = arith.addf %add3A_422, %add3A_456 : vector<16xf32>
      scf.yield %add3A_457, %add3A_383, %select_n3A_387 : vector<16xf32>, vector<16xi32>, vector<16xi32>
    }
    %scan3A_58 = arith.constant 125 : i32
    tpu.wait_dma2 semaphore(%arg14 : memref<!tpu.dma_semaphore, #tpu.memory_space<semaphore_mem>>) src(%arg4 : memref<2x32x20xi32, #tpu.memory_space<hbm>>) dst(%arg10 : memref<2x32x20xi32, #tpu.memory_space<vmem>>)
    %broadcast_in_dim3A_59 = vector.broadcast %shift_right_logical3A_5 : i32 to vector<16xi32>
    %broadcast_in_dim3A_60 = vector.broadcast %and3A_6 : i32 to vector<16xi32>
    %gather3A = tpu.vector_load_idx %arg10[%broadcast_in_dim3A_59, %broadcast_in_dim3A_60, %iota3A] : memref<2x32x20xi32, #tpu.memory_space<vmem>>[vector<16xi32>, vector<16xi32>, vector<16xi32>], vector<16xi32>,
    %lt3A = arith.constant 25088 : i32
    %lt3A_61 = vector.broadcast %lt3A : i32 to vector<16xi32>
    %lt3A_62 = arith.cmpi slt, %gather3A, %lt3A_61 : vector<16xi32>
    %sub3A = arith.constant 25088 : i32
    %sub3A_63 = vector.broadcast %sub3A : i32 to vector<16xi32>
    %sub3A_64 = arith.subi %gather3A, %sub3A_63 : vector<16xi32>
    %select_n3A = arith.select %lt3A_62, %gather3A, %sub3A_64 : vector<16xi1>, vector<16xi32>
    %gather3A_65 = tpu.vector_load_idx %arg6[%select_n3A] : memref<25088xi32, #tpu.memory_space<vmem>>[vector<16xi32>], vector<16xi32>,
    %shift_left3A = arith.constant 16 : i32
    %shift_left3A_66 = vector.broadcast %shift_left3A : i32 to vector<16xi32>
    %shift_left3A_67 = arith.shli %gather3A_65, %shift_left3A_66 : vector<16xi32>
    %and3A_68 = arith.constant -65536 : i32
    %and3A_69 = vector.broadcast %and3A_68 : i32 to vector<16xi32>
    %and3A_70 = arith.andi %gather3A_65, %and3A_69 : vector<16xi32>
    %select_n3A_71 = arith.select %lt3A_62, %shift_left3A_67, %and3A_70 : vector<16xi1>, vector<16xi32>
    %bitcast3A = vector.bitcast %select_n3A_71 : vector<16xi32> to vector<16xf32>
    %neg3A = arith.constant 0.000000e+00 : f32
    %neg3A_72 = vector.broadcast %neg3A : f32 to vector<16xf32>
    %neg3A_73 = arith.subf %neg3A_72, %bitcast3A : vector<16xf32>
    %abs3A = math.absf %neg3A_73 : vector<16xf32>
    %neg3A_74 = arith.constant 0.000000e+00 : f32
    %neg3A_75 = vector.broadcast %neg3A_74 : f32 to vector<16xf32>
    %neg3A_76 = arith.subf %neg3A_75, %abs3A : vector<16xf32>
    %exp3A = math.exp %neg3A_76 : vector<16xf32>
    %add3A_77 = arith.constant 1.000000e+00 : f32
    %add3A_78 = vector.broadcast %add3A_77 : f32 to vector<16xf32>
    %add3A_79 = arith.addf %add3A_78, %exp3A : vector<16xf32>
    %broadcast_in_dim3A_80 = arith.constant 0.0301022474 : f32
    %broadcast_in_dim3A_81 = vector.broadcast %broadcast_in_dim3A_80 : f32 to vector<16xf32>
    %mul3A_82 = arith.mulf %broadcast_in_dim3A_81, %add3A_79 : vector<16xf32>
    %add3A_83 = arith.constant -0.280629158 : f32
    %add3A_84 = vector.broadcast %add3A_83 : f32 to vector<16xf32>
    %add3A_85 = arith.addf %mul3A_82, %add3A_84 : vector<16xf32>
    %mul3A_86 = arith.mulf %add3A_85, %add3A_79 : vector<16xf32>
    %add3A_87 = arith.constant 1.10479653 : f32
    %add3A_88 = vector.broadcast %add3A_87 : f32 to vector<16xf32>
    %add3A_89 = arith.addf %mul3A_86, %add3A_88 : vector<16xf32>
    %mul3A_90 = arith.mulf %add3A_89, %add3A_79 : vector<16xf32>
    %add3A_91 = arith.constant -2.42079306 : f32
    %add3A_92 = vector.broadcast %add3A_91 : f32 to vector<16xf32>
    %add3A_93 = arith.addf %mul3A_90, %add3A_92 : vector<16xf32>
    %mul3A_94 = arith.mulf %add3A_93, %add3A_79 : vector<16xf32>
    %add3A_95 = arith.constant 3.49821186 : f32
    %add3A_96 = vector.broadcast %add3A_95 : f32 to vector<16xf32>
    %add3A_97 = arith.addf %mul3A_94, %add3A_96 : vector<16xf32>
    %mul3A_98 = arith.mulf %add3A_97, %add3A_79 : vector<16xf32>
    %add3A_99 = arith.constant -1.93166637 : f32
    %add3A_100 = vector.broadcast %add3A_99 : f32 to vector<16xf32>
    %add3A_101 = arith.addf %mul3A_98, %add3A_100 : vector<16xf32>
    %max3A = arith.constant 0.000000e+00 : f32
    %max3A_102 = vector.broadcast %max3A : f32 to vector<16xf32>
    %max3A_103 = arith.maximumf %neg3A_73, %max3A_102 : vector<16xf32>
    %add3A_104 = arith.addf %max3A_103, %add3A_101 : vector<16xf32>
    %add3A_105 = arith.addf %scan3A_57#0, %add3A_104 : vector<16xf32>
    %lt3A_106 = arith.constant 4 : i32
    %lt3A_107 = vector.broadcast %lt3A_106 : i32 to vector<16xi32>
    %lt3A_108 = arith.cmpi slt, %iota3A, %lt3A_107 : vector<16xi32>
    %add3A_109 = arith.constant 16 : i32
    %add3A_110 = vector.broadcast %add3A_109 : i32 to vector<16xi32>
    %add3A_111 = arith.addi %iota3A, %add3A_110 : vector<16xi32>
    %jit3A = arith.constant 0 : i32
    %broadcast_in_dim3A_112 = vector.broadcast %jit3A : i32 to vector<16xi32>
    %select_n3A_113 = arith.select %lt3A_108, %add3A_111, %broadcast_in_dim3A_112 : vector<16xi1>, vector<16xi32>
    %gather3A_114 = tpu.vector_load_idx %arg10[%broadcast_in_dim3A_59, %broadcast_in_dim3A_60, %select_n3A_113] : memref<2x32x20xi32, #tpu.memory_space<vmem>>[vector<16xi32>, vector<16xi32>, vector<16xi32>], vector<16xi32>,
    %jit3A_115 = arith.constant 0 : i32
    %broadcast_in_dim3A_116 = vector.broadcast %jit3A_115 : i32 to vector<16xi32>
    %select_n3A_117 = arith.select %lt3A_108, %gather3A_114, %broadcast_in_dim3A_116 : vector<16xi1>, vector<16xi32>
    %lt3A_118 = arith.constant 25088 : i32
    %lt3A_119 = vector.broadcast %lt3A_118 : i32 to vector<16xi32>
    %lt3A_120 = arith.cmpi slt, %select_n3A_117, %lt3A_119 : vector<16xi32>
    %sub3A_121 = arith.constant 25088 : i32
    %sub3A_122 = vector.broadcast %sub3A_121 : i32 to vector<16xi32>
    %sub3A_123 = arith.subi %select_n3A_117, %sub3A_122 : vector<16xi32>
    %select_n3A_124 = arith.select %lt3A_120, %select_n3A_117, %sub3A_123 : vector<16xi1>, vector<16xi32>
    %gather3A_125 = tpu.vector_load_idx %arg6[%select_n3A_124] : memref<25088xi32, #tpu.memory_space<vmem>>[vector<16xi32>], vector<16xi32>,
    %shift_left3A_126 = arith.constant 16 : i32
    %shift_left3A_127 = vector.broadcast %shift_left3A_126 : i32 to vector<16xi32>
    %shift_left3A_128 = arith.shli %gather3A_125, %shift_left3A_127 : vector<16xi32>
    %and3A_129 = arith.constant -65536 : i32
    %and3A_130 = vector.broadcast %and3A_129 : i32 to vector<16xi32>
    %and3A_131 = arith.andi %gather3A_125, %and3A_130 : vector<16xi32>
    %select_n3A_132 = arith.select %lt3A_120, %shift_left3A_128, %and3A_131 : vector<16xi1>, vector<16xi32>
    %bitcast3A_133 = vector.bitcast %select_n3A_132 : vector<16xi32> to vector<16xf32>
    %neg3A_134 = arith.constant 0.000000e+00 : f32
    %neg3A_135 = vector.broadcast %neg3A_134 : f32 to vector<16xf32>
    %neg3A_136 = arith.subf %neg3A_135, %bitcast3A_133 : vector<16xf32>
    %abs3A_137 = math.absf %neg3A_136 : vector<16xf32>
    %neg3A_138 = arith.constant 0.000000e+00 : f32
    %neg3A_139 = vector.broadcast %neg3A_138 : f32 to vector<16xf32>
    %neg3A_140 = arith.subf %neg3A_139, %abs3A_137 : vector<16xf32>
    %exp3A_141 = math.exp %neg3A_140 : vector<16xf32>
    %add3A_142 = arith.constant 1.000000e+00 : f32
    %add3A_143 = vector.broadcast %add3A_142 : f32 to vector<16xf32>
    %add3A_144 = arith.addf %add3A_143, %exp3A_141 : vector<16xf32>
    %broadcast_in_dim3A_145 = arith.constant 0.0301022474 : f32
    %broadcast_in_dim3A_146 = vector.broadcast %broadcast_in_dim3A_145 : f32 to vector<16xf32>
    %mul3A_147 = arith.mulf %broadcast_in_dim3A_146, %add3A_144 : vector<16xf32>
    %add3A_148 = arith.constant -0.280629158 : f32
    %add3A_149 = vector.broadcast %add3A_148 : f32 to vector<16xf32>
    %add3A_150 = arith.addf %mul3A_147, %add3A_149 : vector<16xf32>
    %mul3A_151 = arith.mulf %add3A_150, %add3A_144 : vector<16xf32>
    %add3A_152 = arith.constant 1.10479653 : f32
    %add3A_153 = vector.broadcast %add3A_152 : f32 to vector<16xf32>
    %add3A_154 = arith.addf %mul3A_151, %add3A_153 : vector<16xf32>
    %mul3A_155 = arith.mulf %add3A_154, %add3A_144 : vector<16xf32>
    %add3A_156 = arith.constant -2.42079306 : f32
    %add3A_157 = vector.broadcast %add3A_156 : f32 to vector<16xf32>
    %add3A_158 = arith.addf %mul3A_155, %add3A_157 : vector<16xf32>
    %mul3A_159 = arith.mulf %add3A_158, %add3A_144 : vector<16xf32>
    %add3A_160 = arith.constant 3.49821186 : f32
    %add3A_161 = vector.broadcast %add3A_160 : f32 to vector<16xf32>
    %add3A_162 = arith.addf %mul3A_159, %add3A_161 : vector<16xf32>
    %mul3A_163 = arith.mulf %add3A_162, %add3A_144 : vector<16xf32>
    %add3A_164 = arith.constant -1.93166637 : f32
    %add3A_165 = vector.broadcast %add3A_164 : f32 to vector<16xf32>
    %add3A_166 = arith.addf %mul3A_163, %add3A_165 : vector<16xf32>
    %max3A_167 = arith.constant 0.000000e+00 : f32
    %max3A_168 = vector.broadcast %max3A_167 : f32 to vector<16xf32>
    %max3A_169 = arith.maximumf %neg3A_136, %max3A_168 : vector<16xf32>
    %add3A_170 = arith.addf %max3A_169, %add3A_166 : vector<16xf32>
    %jit3A_171 = arith.constant 0.000000e+00 : f32
    %broadcast_in_dim3A_172 = vector.broadcast %jit3A_171 : f32 to vector<16xf32>
    %select_n3A_173 = arith.select %lt3A_108, %add3A_170, %broadcast_in_dim3A_172 : vector<16xi1>, vector<16xf32>
    %add3A_174 = arith.addf %add3A_105, %select_n3A_173 : vector<16xf32>
    %dma_wait3A_175 = arith.constant 0 : i32
    %dma_wait3A_176 = tpu.memref_slice %arg2[%shift_right_logical3A_8, %and3A_10, %dma_wait3A_175] : memref<2x32x25088xi32, #tpu.memory_space<hbm>> -> memref<1x1x25088xi32, #tpu.memory_space<hbm>>
    %dma_wait3A_177 = tpu.memref_squeeze %dma_wait3A_176 : memref<1x1x25088xi32, #tpu.memory_space<hbm>> -> memref<25088xi32, #tpu.memory_space<hbm>>
    %dma_wait3A_178 = arith.constant 0 : i32
    %dma_wait3A_179 = tpu.memref_slice %arg2[%shift_right_logical3A_8, %and3A_10, %dma_wait3A_178] : memref<2x32x25088xi32, #tpu.memory_space<hbm>> -> memref<1x1x25088xi32, #tpu.memory_space<hbm>>
    %dma_wait3A_180 = tpu.memref_squeeze %dma_wait3A_179 : memref<1x1x25088xi32, #tpu.memory_space<hbm>> -> memref<25088xi32, #tpu.memory_space<hbm>>
    tpu.wait_dma2 semaphore(%arg13 : memref<!tpu.dma_semaphore, #tpu.memory_space<semaphore_mem>>) src(%dma_wait3A_180 : memref<25088xi32, #tpu.memory_space<hbm>>) dst(%arg7 : memref<25088xi32, #tpu.memory_space<vmem>>)
    %dma_wait3A_181 = arith.constant 0 : i32
    %dma_wait3A_182 = arith.constant 0 : i32
    %dma_wait3A_183 = tpu.memref_slice %arg3[%shift_right_logical3A_8, %and3A_10, %dma_wait3A_181, %dma_wait3A_182] : memref<2x32x20x200xi32, #tpu.memory_space<hbm>> -> memref<1x1x20x200xi32, #tpu.memory_space<hbm>>
    %dma_wait3A_184 = tpu.memref_squeeze %dma_wait3A_183 : memref<1x1x20x200xi32, #tpu.memory_space<hbm>> -> memref<20x200xi32, #tpu.memory_space<hbm>>
    %dma_wait3A_185 = arith.constant 0 : i32
    %dma_wait3A_186 = arith.constant 0 : i32
    %dma_wait3A_187 = tpu.memref_slice %arg3[%shift_right_logical3A_8, %and3A_10, %dma_wait3A_185, %dma_wait3A_186] : memref<2x32x20x200xi32, #tpu.memory_space<hbm>> -> memref<1x1x20x200xi32, #tpu.memory_space<hbm>>
    %dma_wait3A_188 = tpu.memref_squeeze %dma_wait3A_187 : memref<1x1x20x200xi32, #tpu.memory_space<hbm>> -> memref<20x200xi32, #tpu.memory_space<hbm>>
    tpu.wait_dma2 semaphore(%arg13 : memref<!tpu.dma_semaphore, #tpu.memory_space<semaphore_mem>>) src(%dma_wait3A_188 : memref<20x200xi32, #tpu.memory_space<hbm>>) dst(%arg9 : memref<20x200xi32, #tpu.memory_space<vmem>>)
    %broadcast_in_dim3A_189 = arith.constant 0 : i32
    %broadcast_in_dim3A_190 = vector.broadcast %broadcast_in_dim3A_189 : i32 to vector<16xi32>
    %scan3A_191 = arith.constant 0 : i32
    %scan3A_192 = arith.constant 125 : i32
    %scan3A_193 = arith.addi %scan3A_191, %scan3A_192 : i32
    %scan3A_194 = arith.constant 1 : i32
    %scan3A_195:3 = scf.for %scan3A_328 = %scan3A_191 to %scan3A_193 step %scan3A_194 iter_args(%scan3A_329 = %add3A_174, %scan3A_330 = %broadcast_in_dim3A_190, %scan3A_331 = %iota3A) -> (vector<16xf32>, vector<16xi32>, vector<16xi32>)  : i32 {
      %gather3A_332 = tpu.vector_load_idx %arg9[%scan3A_330, %scan3A_331] : memref<20x200xi32, #tpu.memory_space<vmem>>[vector<16xi32>, vector<16xi32>], vector<16xi32>,
      %lt3A_333 = arith.constant 25088 : i32
      %lt3A_334 = vector.broadcast %lt3A_333 : i32 to vector<16xi32>
      %lt3A_335 = arith.cmpi slt, %gather3A_332, %lt3A_334 : vector<16xi32>
      %sub3A_336 = arith.constant 25088 : i32
      %sub3A_337 = vector.broadcast %sub3A_336 : i32 to vector<16xi32>
      %sub3A_338 = arith.subi %gather3A_332, %sub3A_337 : vector<16xi32>
      %select_n3A_339 = arith.select %lt3A_335, %gather3A_332, %sub3A_338 : vector<16xi1>, vector<16xi32>
      %gather3A_340 = tpu.vector_load_idx %arg7[%select_n3A_339] : memref<25088xi32, #tpu.memory_space<vmem>>[vector<16xi32>], vector<16xi32>,
      %shift_left3A_341 = arith.constant 16 : i32
      %shift_left3A_342 = vector.broadcast %shift_left3A_341 : i32 to vector<16xi32>
      %shift_left3A_343 = arith.shli %gather3A_340, %shift_left3A_342 : vector<16xi32>
      %and3A_344 = arith.constant -65536 : i32
      %and3A_345 = vector.broadcast %and3A_344 : i32 to vector<16xi32>
      %and3A_346 = arith.andi %gather3A_340, %and3A_345 : vector<16xi32>
      %select_n3A_347 = arith.select %lt3A_335, %shift_left3A_343, %and3A_346 : vector<16xi1>, vector<16xi32>
      %bitcast3A_348 = vector.bitcast %select_n3A_347 : vector<16xi32> to vector<16xf32>
      %add3A_349 = arith.constant 16 : i32
      %add3A_350 = vector.broadcast %add3A_349 : i32 to vector<16xi32>
      %add3A_351 = arith.addi %scan3A_331, %add3A_350 : vector<16xi32>
      %ge3A = arith.constant 200 : i32
      %ge3A_352 = vector.broadcast %ge3A : i32 to vector<16xi32>
      %ge3A_353 = arith.cmpi sge, %add3A_351, %ge3A_352 : vector<16xi32>
      %convert_element_type3A = arith.extui %ge3A_353 : vector<16xi1> to vector<16xi32>
      %add3A_354 = arith.addi %scan3A_330, %convert_element_type3A : vector<16xi32>
      %sub3A_355 = arith.constant 200 : i32
      %sub3A_356 = vector.broadcast %sub3A_355 : i32 to vector<16xi32>
      %sub3A_357 = arith.subi %add3A_351, %sub3A_356 : vector<16xi32>
      %select_n3A_358 = arith.select %ge3A_353, %sub3A_357, %add3A_351 : vector<16xi1>, vector<16xi32>
      %gather3A_359 = tpu.vector_load_idx %arg9[%add3A_354, %select_n3A_358] : memref<20x200xi32, #tpu.memory_space<vmem>>[vector<16xi32>, vector<16xi32>], vector<16xi32>,
      %lt3A_360 = arith.constant 25088 : i32
      %lt3A_361 = vector.broadcast %lt3A_360 : i32 to vector<16xi32>
      %lt3A_362 = arith.cmpi slt, %gather3A_359, %lt3A_361 : vector<16xi32>
      %sub3A_363 = arith.constant 25088 : i32
      %sub3A_364 = vector.broadcast %sub3A_363 : i32 to vector<16xi32>
      %sub3A_365 = arith.subi %gather3A_359, %sub3A_364 : vector<16xi32>
      %select_n3A_366 = arith.select %lt3A_362, %gather3A_359, %sub3A_365 : vector<16xi1>, vector<16xi32>
      %gather3A_367 = tpu.vector_load_idx %arg7[%select_n3A_366] : memref<25088xi32, #tpu.memory_space<vmem>>[vector<16xi32>], vector<16xi32>,
      %shift_left3A_368 = arith.constant 16 : i32
      %shift_left3A_369 = vector.broadcast %shift_left3A_368 : i32 to vector<16xi32>
      %shift_left3A_370 = arith.shli %gather3A_367, %shift_left3A_369 : vector<16xi32>
      %and3A_371 = arith.constant -65536 : i32
      %and3A_372 = vector.broadcast %and3A_371 : i32 to vector<16xi32>
      %and3A_373 = arith.andi %gather3A_367, %and3A_372 : vector<16xi32>
      %select_n3A_374 = arith.select %lt3A_362, %shift_left3A_370, %and3A_373 : vector<16xi1>, vector<16xi32>
      %bitcast3A_375 = vector.bitcast %select_n3A_374 : vector<16xi32> to vector<16xf32>
      %add3A_376 = arith.constant 16 : i32
      %add3A_377 = vector.broadcast %add3A_376 : i32 to vector<16xi32>
      %add3A_378 = arith.addi %select_n3A_358, %add3A_377 : vector<16xi32>
      %ge3A_379 = arith.constant 200 : i32
      %ge3A_380 = vector.broadcast %ge3A_379 : i32 to vector<16xi32>
      %ge3A_381 = arith.cmpi sge, %add3A_378, %ge3A_380 : vector<16xi32>
      %convert_element_type3A_382 = arith.extui %ge3A_381 : vector<16xi1> to vector<16xi32>
      %add3A_383 = arith.addi %add3A_354, %convert_element_type3A_382 : vector<16xi32>
      %sub3A_384 = arith.constant 200 : i32
      %sub3A_385 = vector.broadcast %sub3A_384 : i32 to vector<16xi32>
      %sub3A_386 = arith.subi %add3A_378, %sub3A_385 : vector<16xi32>
      %select_n3A_387 = arith.select %ge3A_381, %sub3A_386, %add3A_378 : vector<16xi1>, vector<16xi32>
      %abs3A_388 = math.absf %bitcast3A_348 : vector<16xf32>
      %neg3A_389 = arith.constant 0.000000e+00 : f32
      %neg3A_390 = vector.broadcast %neg3A_389 : f32 to vector<16xf32>
      %neg3A_391 = arith.subf %neg3A_390, %abs3A_388 : vector<16xf32>
      %exp3A_392 = math.exp %neg3A_391 : vector<16xf32>
      %add3A_393 = arith.constant 1.000000e+00 : f32
      %add3A_394 = vector.broadcast %add3A_393 : f32 to vector<16xf32>
      %add3A_395 = arith.addf %add3A_394, %exp3A_392 : vector<16xf32>
      %broadcast_in_dim3A_396 = arith.constant 0.0301022474 : f32
      %broadcast_in_dim3A_397 = vector.broadcast %broadcast_in_dim3A_396 : f32 to vector<16xf32>
      %mul3A_398 = arith.mulf %broadcast_in_dim3A_397, %add3A_395 : vector<16xf32>
      %add3A_399 = arith.constant -0.280629158 : f32
      %add3A_400 = vector.broadcast %add3A_399 : f32 to vector<16xf32>
      %add3A_401 = arith.addf %mul3A_398, %add3A_400 : vector<16xf32>
      %mul3A_402 = arith.mulf %add3A_401, %add3A_395 : vector<16xf32>
      %add3A_403 = arith.constant 1.10479653 : f32
      %add3A_404 = vector.broadcast %add3A_403 : f32 to vector<16xf32>
      %add3A_405 = arith.addf %mul3A_402, %add3A_404 : vector<16xf32>
      %mul3A_406 = arith.mulf %add3A_405, %add3A_395 : vector<16xf32>
      %add3A_407 = arith.constant -2.42079306 : f32
      %add3A_408 = vector.broadcast %add3A_407 : f32 to vector<16xf32>
      %add3A_409 = arith.addf %mul3A_406, %add3A_408 : vector<16xf32>
      %mul3A_410 = arith.mulf %add3A_409, %add3A_395 : vector<16xf32>
      %add3A_411 = arith.constant 3.49821186 : f32
      %add3A_412 = vector.broadcast %add3A_411 : f32 to vector<16xf32>
      %add3A_413 = arith.addf %mul3A_410, %add3A_412 : vector<16xf32>
      %mul3A_414 = arith.mulf %add3A_413, %add3A_395 : vector<16xf32>
      %add3A_415 = arith.constant -1.93166637 : f32
      %add3A_416 = vector.broadcast %add3A_415 : f32 to vector<16xf32>
      %add3A_417 = arith.addf %mul3A_414, %add3A_416 : vector<16xf32>
      %max3A_418 = arith.constant 0.000000e+00 : f32
      %max3A_419 = vector.broadcast %max3A_418 : f32 to vector<16xf32>
      %max3A_420 = arith.maximumf %bitcast3A_348, %max3A_419 : vector<16xf32>
      %add3A_421 = arith.addf %max3A_420, %add3A_417 : vector<16xf32>
      %add3A_422 = arith.addf %scan3A_329, %add3A_421 : vector<16xf32>
      %abs3A_423 = math.absf %bitcast3A_375 : vector<16xf32>
      %neg3A_424 = arith.constant 0.000000e+00 : f32
      %neg3A_425 = vector.broadcast %neg3A_424 : f32 to vector<16xf32>
      %neg3A_426 = arith.subf %neg3A_425, %abs3A_423 : vector<16xf32>
      %exp3A_427 = math.exp %neg3A_426 : vector<16xf32>
      %add3A_428 = arith.constant 1.000000e+00 : f32
      %add3A_429 = vector.broadcast %add3A_428 : f32 to vector<16xf32>
      %add3A_430 = arith.addf %add3A_429, %exp3A_427 : vector<16xf32>
      %broadcast_in_dim3A_431 = arith.constant 0.0301022474 : f32
      %broadcast_in_dim3A_432 = vector.broadcast %broadcast_in_dim3A_431 : f32 to vector<16xf32>
      %mul3A_433 = arith.mulf %broadcast_in_dim3A_432, %add3A_430 : vector<16xf32>
      %add3A_434 = arith.constant -0.280629158 : f32
      %add3A_435 = vector.broadcast %add3A_434 : f32 to vector<16xf32>
      %add3A_436 = arith.addf %mul3A_433, %add3A_435 : vector<16xf32>
      %mul3A_437 = arith.mulf %add3A_436, %add3A_430 : vector<16xf32>
      %add3A_438 = arith.constant 1.10479653 : f32
      %add3A_439 = vector.broadcast %add3A_438 : f32 to vector<16xf32>
      %add3A_440 = arith.addf %mul3A_437, %add3A_439 : vector<16xf32>
      %mul3A_441 = arith.mulf %add3A_440, %add3A_430 : vector<16xf32>
      %add3A_442 = arith.constant -2.42079306 : f32
      %add3A_443 = vector.broadcast %add3A_442 : f32 to vector<16xf32>
      %add3A_444 = arith.addf %mul3A_441, %add3A_443 : vector<16xf32>
      %mul3A_445 = arith.mulf %add3A_444, %add3A_430 : vector<16xf32>
      %add3A_446 = arith.constant 3.49821186 : f32
      %add3A_447 = vector.broadcast %add3A_446 : f32 to vector<16xf32>
      %add3A_448 = arith.addf %mul3A_445, %add3A_447 : vector<16xf32>
      %mul3A_449 = arith.mulf %add3A_448, %add3A_430 : vector<16xf32>
      %add3A_450 = arith.constant -1.93166637 : f32
      %add3A_451 = vector.broadcast %add3A_450 : f32 to vector<16xf32>
      %add3A_452 = arith.addf %mul3A_449, %add3A_451 : vector<16xf32>
      %max3A_453 = arith.constant 0.000000e+00 : f32
      %max3A_454 = vector.broadcast %max3A_453 : f32 to vector<16xf32>
      %max3A_455 = arith.maximumf %bitcast3A_375, %max3A_454 : vector<16xf32>
      %add3A_456 = arith.addf %max3A_455, %add3A_452 : vector<16xf32>
      %add3A_457 = arith.addf %add3A_422, %add3A_456 : vector<16xf32>
      scf.yield %add3A_457, %add3A_383, %select_n3A_387 : vector<16xf32>, vector<16xi32>, vector<16xi32>
    }
    %scan3A_196 = arith.constant 125 : i32
    %broadcast_in_dim3A_197 = vector.broadcast %shift_right_logical3A_8 : i32 to vector<16xi32>
    %broadcast_in_dim3A_198 = vector.broadcast %and3A_10 : i32 to vector<16xi32>
    %gather3A_199 = tpu.vector_load_idx %arg10[%broadcast_in_dim3A_197, %broadcast_in_dim3A_198, %iota3A] : memref<2x32x20xi32, #tpu.memory_space<vmem>>[vector<16xi32>, vector<16xi32>, vector<16xi32>], vector<16xi32>,
    %lt3A_200 = arith.constant 25088 : i32
    %lt3A_201 = vector.broadcast %lt3A_200 : i32 to vector<16xi32>
    %lt3A_202 = arith.cmpi slt, %gather3A_199, %lt3A_201 : vector<16xi32>
    %sub3A_203 = arith.constant 25088 : i32
    %sub3A_204 = vector.broadcast %sub3A_203 : i32 to vector<16xi32>
    %sub3A_205 = arith.subi %gather3A_199, %sub3A_204 : vector<16xi32>
    %select_n3A_206 = arith.select %lt3A_202, %gather3A_199, %sub3A_205 : vector<16xi1>, vector<16xi32>
    %gather3A_207 = tpu.vector_load_idx %arg7[%select_n3A_206] : memref<25088xi32, #tpu.memory_space<vmem>>[vector<16xi32>], vector<16xi32>,
    %shift_left3A_208 = arith.constant 16 : i32
    %shift_left3A_209 = vector.broadcast %shift_left3A_208 : i32 to vector<16xi32>
    %shift_left3A_210 = arith.shli %gather3A_207, %shift_left3A_209 : vector<16xi32>
    %and3A_211 = arith.constant -65536 : i32
    %and3A_212 = vector.broadcast %and3A_211 : i32 to vector<16xi32>
    %and3A_213 = arith.andi %gather3A_207, %and3A_212 : vector<16xi32>
    %select_n3A_214 = arith.select %lt3A_202, %shift_left3A_210, %and3A_213 : vector<16xi1>, vector<16xi32>
    %bitcast3A_215 = vector.bitcast %select_n3A_214 : vector<16xi32> to vector<16xf32>
    %neg3A_216 = arith.constant 0.000000e+00 : f32
    %neg3A_217 = vector.broadcast %neg3A_216 : f32 to vector<16xf32>
    %neg3A_218 = arith.subf %neg3A_217, %bitcast3A_215 : vector<16xf32>
    %abs3A_219 = math.absf %neg3A_218 : vector<16xf32>
    %neg3A_220 = arith.constant 0.000000e+00 : f32
    %neg3A_221 = vector.broadcast %neg3A_220 : f32 to vector<16xf32>
    %neg3A_222 = arith.subf %neg3A_221, %abs3A_219 : vector<16xf32>
    %exp3A_223 = math.exp %neg3A_222 : vector<16xf32>
    %add3A_224 = arith.constant 1.000000e+00 : f32
    %add3A_225 = vector.broadcast %add3A_224 : f32 to vector<16xf32>
    %add3A_226 = arith.addf %add3A_225, %exp3A_223 : vector<16xf32>
    %broadcast_in_dim3A_227 = arith.constant 0.0301022474 : f32
    %broadcast_in_dim3A_228 = vector.broadcast %broadcast_in_dim3A_227 : f32 to vector<16xf32>
    %mul3A_229 = arith.mulf %broadcast_in_dim3A_228, %add3A_226 : vector<16xf32>
    %add3A_230 = arith.constant -0.280629158 : f32
    %add3A_231 = vector.broadcast %add3A_230 : f32 to vector<16xf32>
    %add3A_232 = arith.addf %mul3A_229, %add3A_231 : vector<16xf32>
    %mul3A_233 = arith.mulf %add3A_232, %add3A_226 : vector<16xf32>
    %add3A_234 = arith.constant 1.10479653 : f32
    %add3A_235 = vector.broadcast %add3A_234 : f32 to vector<16xf32>
    %add3A_236 = arith.addf %mul3A_233, %add3A_235 : vector<16xf32>
    %mul3A_237 = arith.mulf %add3A_236, %add3A_226 : vector<16xf32>
    %add3A_238 = arith.constant -2.42079306 : f32
    %add3A_239 = vector.broadcast %add3A_238 : f32 to vector<16xf32>
    %add3A_240 = arith.addf %mul3A_237, %add3A_239 : vector<16xf32>
    %mul3A_241 = arith.mulf %add3A_240, %add3A_226 : vector<16xf32>
    %add3A_242 = arith.constant 3.49821186 : f32
    %add3A_243 = vector.broadcast %add3A_242 : f32 to vector<16xf32>
    %add3A_244 = arith.addf %mul3A_241, %add3A_243 : vector<16xf32>
    %mul3A_245 = arith.mulf %add3A_244, %add3A_226 : vector<16xf32>
    %add3A_246 = arith.constant -1.93166637 : f32
    %add3A_247 = vector.broadcast %add3A_246 : f32 to vector<16xf32>
    %add3A_248 = arith.addf %mul3A_245, %add3A_247 : vector<16xf32>
    %max3A_249 = arith.constant 0.000000e+00 : f32
    %max3A_250 = vector.broadcast %max3A_249 : f32 to vector<16xf32>
    %max3A_251 = arith.maximumf %neg3A_218, %max3A_250 : vector<16xf32>
    %add3A_252 = arith.addf %max3A_251, %add3A_248 : vector<16xf32>
    %add3A_253 = arith.addf %scan3A_195#0, %add3A_252 : vector<16xf32>
    %lt3A_254 = arith.constant 4 : i32
    %lt3A_255 = vector.broadcast %lt3A_254 : i32 to vector<16xi32>
    %lt3A_256 = arith.cmpi slt, %iota3A, %lt3A_255 : vector<16xi32>
    %add3A_257 = arith.constant 16 : i32
    %add3A_258 = vector.broadcast %add3A_257 : i32 to vector<16xi32>
    %add3A_259 = arith.addi %iota3A, %add3A_258 : vector<16xi32>
    %jit3A_260 = arith.constant 0 : i32
    %broadcast_in_dim3A_261 = vector.broadcast %jit3A_260 : i32 to vector<16xi32>
    %select_n3A_262 = arith.select %lt3A_256, %add3A_259, %broadcast_in_dim3A_261 : vector<16xi1>, vector<16xi32>
    %gather3A_263 = tpu.vector_load_idx %arg10[%broadcast_in_dim3A_197, %broadcast_in_dim3A_198, %select_n3A_262] : memref<2x32x20xi32, #tpu.memory_space<vmem>>[vector<16xi32>, vector<16xi32>, vector<16xi32>], vector<16xi32>,
    %jit3A_264 = arith.constant 0 : i32
    %broadcast_in_dim3A_265 = vector.broadcast %jit3A_264 : i32 to vector<16xi32>
    %select_n3A_266 = arith.select %lt3A_256, %gather3A_263, %broadcast_in_dim3A_265 : vector<16xi1>, vector<16xi32>
    %lt3A_267 = arith.constant 25088 : i32
    %lt3A_268 = vector.broadcast %lt3A_267 : i32 to vector<16xi32>
    %lt3A_269 = arith.cmpi slt, %select_n3A_266, %lt3A_268 : vector<16xi32>
    %sub3A_270 = arith.constant 25088 : i32
    %sub3A_271 = vector.broadcast %sub3A_270 : i32 to vector<16xi32>
    %sub3A_272 = arith.subi %select_n3A_266, %sub3A_271 : vector<16xi32>
    %select_n3A_273 = arith.select %lt3A_269, %select_n3A_266, %sub3A_272 : vector<16xi1>, vector<16xi32>
    %gather3A_274 = tpu.vector_load_idx %arg7[%select_n3A_273] : memref<25088xi32, #tpu.memory_space<vmem>>[vector<16xi32>], vector<16xi32>,
    %shift_left3A_275 = arith.constant 16 : i32
    %shift_left3A_276 = vector.broadcast %shift_left3A_275 : i32 to vector<16xi32>
    %shift_left3A_277 = arith.shli %gather3A_274, %shift_left3A_276 : vector<16xi32>
    %and3A_278 = arith.constant -65536 : i32
    %and3A_279 = vector.broadcast %and3A_278 : i32 to vector<16xi32>
    %and3A_280 = arith.andi %gather3A_274, %and3A_279 : vector<16xi32>
    %select_n3A_281 = arith.select %lt3A_269, %shift_left3A_277, %and3A_280 : vector<16xi1>, vector<16xi32>
    %bitcast3A_282 = vector.bitcast %select_n3A_281 : vector<16xi32> to vector<16xf32>
    %neg3A_283 = arith.constant 0.000000e+00 : f32
    %neg3A_284 = vector.broadcast %neg3A_283 : f32 to vector<16xf32>
    %neg3A_285 = arith.subf %neg3A_284, %bitcast3A_282 : vector<16xf32>
    %abs3A_286 = math.absf %neg3A_285 : vector<16xf32>
    %neg3A_287 = arith.constant 0.000000e+00 : f32
    %neg3A_288 = vector.broadcast %neg3A_287 : f32 to vector<16xf32>
    %neg3A_289 = arith.subf %neg3A_288, %abs3A_286 : vector<16xf32>
    %exp3A_290 = math.exp %neg3A_289 : vector<16xf32>
    %add3A_291 = arith.constant 1.000000e+00 : f32
    %add3A_292 = vector.broadcast %add3A_291 : f32 to vector<16xf32>
    %add3A_293 = arith.addf %add3A_292, %exp3A_290 : vector<16xf32>
    %broadcast_in_dim3A_294 = arith.constant 0.0301022474 : f32
    %broadcast_in_dim3A_295 = vector.broadcast %broadcast_in_dim3A_294 : f32 to vector<16xf32>
    %mul3A_296 = arith.mulf %broadcast_in_dim3A_295, %add3A_293 : vector<16xf32>
    %add3A_297 = arith.constant -0.280629158 : f32
    %add3A_298 = vector.broadcast %add3A_297 : f32 to vector<16xf32>
    %add3A_299 = arith.addf %mul3A_296, %add3A_298 : vector<16xf32>
    %mul3A_300 = arith.mulf %add3A_299, %add3A_293 : vector<16xf32>
    %add3A_301 = arith.constant 1.10479653 : f32
    %add3A_302 = vector.broadcast %add3A_301 : f32 to vector<16xf32>
    %add3A_303 = arith.addf %mul3A_300, %add3A_302 : vector<16xf32>
    %mul3A_304 = arith.mulf %add3A_303, %add3A_293 : vector<16xf32>
    %add3A_305 = arith.constant -2.42079306 : f32
    %add3A_306 = vector.broadcast %add3A_305 : f32 to vector<16xf32>
    %add3A_307 = arith.addf %mul3A_304, %add3A_306 : vector<16xf32>
    %mul3A_308 = arith.mulf %add3A_307, %add3A_293 : vector<16xf32>
    %add3A_309 = arith.constant 3.49821186 : f32
    %add3A_310 = vector.broadcast %add3A_309 : f32 to vector<16xf32>
    %add3A_311 = arith.addf %mul3A_308, %add3A_310 : vector<16xf32>
    %mul3A_312 = arith.mulf %add3A_311, %add3A_293 : vector<16xf32>
    %add3A_313 = arith.constant -1.93166637 : f32
    %add3A_314 = vector.broadcast %add3A_313 : f32 to vector<16xf32>
    %add3A_315 = arith.addf %mul3A_312, %add3A_314 : vector<16xf32>
    %max3A_316 = arith.constant 0.000000e+00 : f32
    %max3A_317 = vector.broadcast %max3A_316 : f32 to vector<16xf32>
    %max3A_318 = arith.maximumf %neg3A_285, %max3A_317 : vector<16xf32>
    %add3A_319 = arith.addf %max3A_318, %add3A_315 : vector<16xf32>
    %jit3A_320 = arith.constant 0.000000e+00 : f32
    %broadcast_in_dim3A_321 = vector.broadcast %jit3A_320 : f32 to vector<16xf32>
    %select_n3A_322 = arith.select %lt3A_256, %add3A_319, %broadcast_in_dim3A_321 : vector<16xi1>, vector<16xf32>
    %add3A_323 = arith.addf %add3A_253, %select_n3A_322 : vector<16xf32>
    %mul3A_324 = arith.constant 7.812500e-04 : f32
    %mul3A_325 = vector.broadcast %mul3A_324 : f32 to vector<16xf32>
    %mul3A_326 = arith.mulf %add3A_323, %mul3A_325 : vector<16xf32>
    %swap3A = arith.constant 0 : index
    %swap3A_327 = tpu.vector_load %arg11[%swap3A] {strides = array<i32>} : memref<16xf32, #tpu.memory_space<vmem>>, vector<16xf32>,
    tpu.vector_store %arg11[%swap3A], %mul3A_326 {strides = array<i32>} : memref<16xf32, #tpu.memory_space<vmem>>, vector<16xf32>,
    "tpu.region"() ({
      %run_scoped3A = tpu.sem_alloc : memref<!tpu.dma_semaphore, #tpu.memory_space<semaphore_mem>>
      %dma_start3A_328 = arith.constant 0 : i32
      %dma_start3A_329 = tpu.memref_slice %arg5[%add3A, %dma_start3A_328] : memref<32x16xf32, #tpu.memory_space<hbm>> -> memref<1x16xf32, #tpu.memory_space<hbm>>
      %dma_start3A_330 = tpu.memref_squeeze %dma_start3A_329 : memref<1x16xf32, #tpu.memory_space<hbm>> -> memref<16xf32, #tpu.memory_space<hbm>>
      %dma_start3A_331 = arith.constant 0 : i32
      %dma_start3A_332 = tpu.memref_slice %arg5[%add3A, %dma_start3A_331] : memref<32x16xf32, #tpu.memory_space<hbm>> -> memref<1x16xf32, #tpu.memory_space<hbm>>
      %dma_start3A_333 = tpu.memref_squeeze %dma_start3A_332 : memref<1x16xf32, #tpu.memory_space<hbm>> -> memref<16xf32, #tpu.memory_space<hbm>>
      tpu.enqueue_dma source(%arg11 : memref<16xf32, #tpu.memory_space<vmem>>) target(%dma_start3A_333 : memref<16xf32, #tpu.memory_space<hbm>>) target_semaphore(%run_scoped3A : memref<!tpu.dma_semaphore, #tpu.memory_space<semaphore_mem>>)
      %dma_wait3A_334 = arith.constant 0 : i32
      %dma_wait3A_335 = tpu.memref_slice %arg5[%add3A, %dma_wait3A_334] : memref<32x16xf32, #tpu.memory_space<hbm>> -> memref<1x16xf32, #tpu.memory_space<hbm>>
      %dma_wait3A_336 = tpu.memref_squeeze %dma_wait3A_335 : memref<1x16xf32, #tpu.memory_space<hbm>> -> memref<16xf32, #tpu.memory_space<hbm>>
      %dma_wait3A_337 = arith.constant 0 : i32
      %dma_wait3A_338 = tpu.memref_slice %arg5[%add3A, %dma_wait3A_337] : memref<32x16xf32, #tpu.memory_space<hbm>> -> memref<1x16xf32, #tpu.memory_space<hbm>>
      %dma_wait3A_339 = tpu.memref_squeeze %dma_wait3A_338 : memref<1x16xf32, #tpu.memory_space<hbm>> -> memref<16xf32, #tpu.memory_space<hbm>>
      tpu.wait_dma2 semaphore(%run_scoped3A : memref<!tpu.dma_semaphore, #tpu.memory_space<semaphore_mem>>) src(%arg11 : memref<16xf32, #tpu.memory_space<vmem>>) dst(%dma_wait3A_339 : memref<16xf32, #tpu.memory_space<hbm>>)
      tpu.yield
    }) : () -> ()
    return
  }
}

module attributes {stable_mosaic.version = 14 : i64} {
  func.func @_scores_mm_kernel(%arg0: i32, %arg1: i32, %arg2: memref<32xi32, #tpu.memory_space<smem>>, %arg3: memref<2x50000x128xf32, #tpu.memory_space<any>>, %arg4: memref<1x6272x128xf32, #tpu.memory_space<vmem>>, %arg5: memref<1x6272x128xf32, #tpu.memory_space<vmem>>, %arg6: memref<1x32x6272xi32, #tpu.memory_space<vmem>>, %arg7: memref<32x128xf32, #tpu.memory_space<vmem>>, %arg8: memref<!tpu.dma_semaphore, #tpu.memory_space<semaphore_mem>>) attributes {dimension_semantics = [#tpu.dimension_semantics<arbitrary>, #tpu.dimension_semantics<arbitrary>], iteration_bounds = array<i64: 2, 4>, scalar_prefetch = 1 : i64, scratch_operands = 2 : i64, tpu.core_type = #tpu.core_type<tc>, window_params = [{}, {transform_indices = @transform_1, window_bounds = array<i64: 1, 6272, 128>}, {transform_indices = @transform_2, window_bounds = array<i64: 1, 6272, 128>}, {transform_indices = @transform_3, window_bounds = array<i64: 1, 32, 6272>}]} {
    %eq3A = arith.constant 0 : i32
    %eq3A_0 = arith.cmpi eq, %arg1, %eq3A : i32
    %convert_element_type3A = arith.extui %eq3A_0 : i1 to i32
    %cond3A = arith.constant 0 : i32
    %cond3A_1 = arith.cmpi ne, %convert_element_type3A, %cond3A : i32
    scf.if %cond3A_1 {
      %get3A_32 = arith.constant 0 : index
      %get3A_33 = memref.load %arg2[%get3A_32] : memref<32xi32, #tpu.memory_space<smem>>
      %get3A_34 = arith.constant 1 : index
      %get3A_35 = memref.load %arg2[%get3A_34] : memref<32xi32, #tpu.memory_space<smem>>
      %get3A_36 = arith.constant 2 : index
      %get3A_37 = memref.load %arg2[%get3A_36] : memref<32xi32, #tpu.memory_space<smem>>
      %get3A_38 = arith.constant 3 : index
      %get3A_39 = memref.load %arg2[%get3A_38] : memref<32xi32, #tpu.memory_space<smem>>
      %get3A_40 = arith.constant 4 : index
      %get3A_41 = memref.load %arg2[%get3A_40] : memref<32xi32, #tpu.memory_space<smem>>
      %get3A_42 = arith.constant 5 : index
      %get3A_43 = memref.load %arg2[%get3A_42] : memref<32xi32, #tpu.memory_space<smem>>
      %get3A_44 = arith.constant 6 : index
      %get3A_45 = memref.load %arg2[%get3A_44] : memref<32xi32, #tpu.memory_space<smem>>
      %get3A_46 = arith.constant 7 : index
      %get3A_47 = memref.load %arg2[%get3A_46] : memref<32xi32, #tpu.memory_space<smem>>
      %get3A_48 = arith.constant 8 : index
      %get3A_49 = memref.load %arg2[%get3A_48] : memref<32xi32, #tpu.memory_space<smem>>
      %get3A_50 = arith.constant 9 : index
      %get3A_51 = memref.load %arg2[%get3A_50] : memref<32xi32, #tpu.memory_space<smem>>
      %get3A_52 = arith.constant 10 : index
      %get3A_53 = memref.load %arg2[%get3A_52] : memref<32xi32, #tpu.memory_space<smem>>
      %get3A_54 = arith.constant 11 : index
      %get3A_55 = memref.load %arg2[%get3A_54] : memref<32xi32, #tpu.memory_space<smem>>
      %get3A_56 = arith.constant 12 : index
      %get3A_57 = memref.load %arg2[%get3A_56] : memref<32xi32, #tpu.memory_space<smem>>
      %get3A_58 = arith.constant 13 : index
      %get3A_59 = memref.load %arg2[%get3A_58] : memref<32xi32, #tpu.memory_space<smem>>
      %get3A_60 = arith.constant 14 : index
      %get3A_61 = memref.load %arg2[%get3A_60] : memref<32xi32, #tpu.memory_space<smem>>
      %get3A_62 = arith.constant 15 : index
      %get3A_63 = memref.load %arg2[%get3A_62] : memref<32xi32, #tpu.memory_space<smem>>
      %get3A_64 = arith.constant 16 : index
      %get3A_65 = memref.load %arg2[%get3A_64] : memref<32xi32, #tpu.memory_space<smem>>
      %get3A_66 = arith.constant 17 : index
      %get3A_67 = memref.load %arg2[%get3A_66] : memref<32xi32, #tpu.memory_space<smem>>
      %get3A_68 = arith.constant 18 : index
      %get3A_69 = memref.load %arg2[%get3A_68] : memref<32xi32, #tpu.memory_space<smem>>
      %get3A_70 = arith.constant 19 : index
      %get3A_71 = memref.load %arg2[%get3A_70] : memref<32xi32, #tpu.memory_space<smem>>
      %get3A_72 = arith.constant 20 : index
      %get3A_73 = memref.load %arg2[%get3A_72] : memref<32xi32, #tpu.memory_space<smem>>
      %get3A_74 = arith.constant 21 : index
      %get3A_75 = memref.load %arg2[%get3A_74] : memref<32xi32, #tpu.memory_space<smem>>
      %get3A_76 = arith.constant 22 : index
      %get3A_77 = memref.load %arg2[%get3A_76] : memref<32xi32, #tpu.memory_space<smem>>
      %get3A_78 = arith.constant 23 : index
      %get3A_79 = memref.load %arg2[%get3A_78] : memref<32xi32, #tpu.memory_space<smem>>
      %get3A_80 = arith.constant 24 : index
      %get3A_81 = memref.load %arg2[%get3A_80] : memref<32xi32, #tpu.memory_space<smem>>
      %get3A_82 = arith.constant 25 : index
      %get3A_83 = memref.load %arg2[%get3A_82] : memref<32xi32, #tpu.memory_space<smem>>
      %get3A_84 = arith.constant 26 : index
      %get3A_85 = memref.load %arg2[%get3A_84] : memref<32xi32, #tpu.memory_space<smem>>
      %get3A_86 = arith.constant 27 : index
      %get3A_87 = memref.load %arg2[%get3A_86] : memref<32xi32, #tpu.memory_space<smem>>
      %get3A_88 = arith.constant 28 : index
      %get3A_89 = memref.load %arg2[%get3A_88] : memref<32xi32, #tpu.memory_space<smem>>
      %get3A_90 = arith.constant 29 : index
      %get3A_91 = memref.load %arg2[%get3A_90] : memref<32xi32, #tpu.memory_space<smem>>
      %get3A_92 = arith.constant 30 : index
      %get3A_93 = memref.load %arg2[%get3A_92] : memref<32xi32, #tpu.memory_space<smem>>
      %get3A_94 = arith.constant 31 : index
      %get3A_95 = memref.load %arg2[%get3A_94] : memref<32xi32, #tpu.memory_space<smem>>
      %dma_start3A = arith.constant 0 : i32
      %dma_start3A_96 = arith.constant 0 : i32
      %dma_start3A_97 = tpu.memref_slice %arg7[%dma_start3A, %dma_start3A_96] : memref<32x128xf32, #tpu.memory_space<vmem>> -> memref<1x128xf32, #tpu.memory_space<vmem>>
      %dma_start3A_98 = tpu.memref_squeeze %dma_start3A_97 : memref<1x128xf32, #tpu.memory_space<vmem>> -> memref<128xf32, #tpu.memory_space<vmem>>
      %dma_start3A_99 = arith.constant 0 : i32
      %dma_start3A_100 = tpu.memref_slice %arg3[%arg0, %get3A_33, %dma_start3A_99] : memref<2x50000x128xf32, #tpu.memory_space<any>> -> memref<1x1x128xf32, #tpu.memory_space<any>>
      %dma_start3A_101 = tpu.memref_squeeze %dma_start3A_100 : memref<1x1x128xf32, #tpu.memory_space<any>> -> memref<128xf32, #tpu.memory_space<any>>
      tpu.enqueue_dma source(%dma_start3A_101 : memref<128xf32, #tpu.memory_space<any>>) target(%dma_start3A_98 : memref<128xf32, #tpu.memory_space<vmem>>) target_semaphore(%arg8 : memref<!tpu.dma_semaphore, #tpu.memory_space<semaphore_mem>>)
      %dma_start3A_102 = arith.constant 1 : i32
      %dma_start3A_103 = arith.constant 0 : i32
      %dma_start3A_104 = tpu.memref_slice %arg7[%dma_start3A_102, %dma_start3A_103] : memref<32x128xf32, #tpu.memory_space<vmem>> -> memref<1x128xf32, #tpu.memory_space<vmem>>
      %dma_start3A_105 = tpu.memref_squeeze %dma_start3A_104 : memref<1x128xf32, #tpu.memory_space<vmem>> -> memref<128xf32, #tpu.memory_space<vmem>>
      %dma_start3A_106 = arith.constant 0 : i32
      %dma_start3A_107 = tpu.memref_slice %arg3[%arg0, %get3A_35, %dma_start3A_106] : memref<2x50000x128xf32, #tpu.memory_space<any>> -> memref<1x1x128xf32, #tpu.memory_space<any>>
      %dma_start3A_108 = tpu.memref_squeeze %dma_start3A_107 : memref<1x1x128xf32, #tpu.memory_space<any>> -> memref<128xf32, #tpu.memory_space<any>>
      tpu.enqueue_dma source(%dma_start3A_108 : memref<128xf32, #tpu.memory_space<any>>) target(%dma_start3A_105 : memref<128xf32, #tpu.memory_space<vmem>>) target_semaphore(%arg8 : memref<!tpu.dma_semaphore, #tpu.memory_space<semaphore_mem>>)
      %dma_start3A_109 = arith.constant 2 : i32
      %dma_start3A_110 = arith.constant 0 : i32
      %dma_start3A_111 = tpu.memref_slice %arg7[%dma_start3A_109, %dma_start3A_110] : memref<32x128xf32, #tpu.memory_space<vmem>> -> memref<1x128xf32, #tpu.memory_space<vmem>>
      %dma_start3A_112 = tpu.memref_squeeze %dma_start3A_111 : memref<1x128xf32, #tpu.memory_space<vmem>> -> memref<128xf32, #tpu.memory_space<vmem>>
      %dma_start3A_113 = arith.constant 0 : i32
      %dma_start3A_114 = tpu.memref_slice %arg3[%arg0, %get3A_37, %dma_start3A_113] : memref<2x50000x128xf32, #tpu.memory_space<any>> -> memref<1x1x128xf32, #tpu.memory_space<any>>
      %dma_start3A_115 = tpu.memref_squeeze %dma_start3A_114 : memref<1x1x128xf32, #tpu.memory_space<any>> -> memref<128xf32, #tpu.memory_space<any>>
      tpu.enqueue_dma source(%dma_start3A_115 : memref<128xf32, #tpu.memory_space<any>>) target(%dma_start3A_112 : memref<128xf32, #tpu.memory_space<vmem>>) target_semaphore(%arg8 : memref<!tpu.dma_semaphore, #tpu.memory_space<semaphore_mem>>)
      %dma_start3A_116 = arith.constant 3 : i32
      %dma_start3A_117 = arith.constant 0 : i32
      %dma_start3A_118 = tpu.memref_slice %arg7[%dma_start3A_116, %dma_start3A_117] : memref<32x128xf32, #tpu.memory_space<vmem>> -> memref<1x128xf32, #tpu.memory_space<vmem>>
      %dma_start3A_119 = tpu.memref_squeeze %dma_start3A_118 : memref<1x128xf32, #tpu.memory_space<vmem>> -> memref<128xf32, #tpu.memory_space<vmem>>
      %dma_start3A_120 = arith.constant 0 : i32
      %dma_start3A_121 = tpu.memref_slice %arg3[%arg0, %get3A_39, %dma_start3A_120] : memref<2x50000x128xf32, #tpu.memory_space<any>> -> memref<1x1x128xf32, #tpu.memory_space<any>>
      %dma_start3A_122 = tpu.memref_squeeze %dma_start3A_121 : memref<1x1x128xf32, #tpu.memory_space<any>> -> memref<128xf32, #tpu.memory_space<any>>
      tpu.enqueue_dma source(%dma_start3A_122 : memref<128xf32, #tpu.memory_space<any>>) target(%dma_start3A_119 : memref<128xf32, #tpu.memory_space<vmem>>) target_semaphore(%arg8 : memref<!tpu.dma_semaphore, #tpu.memory_space<semaphore_mem>>)
      %dma_start3A_123 = arith.constant 4 : i32
      %dma_start3A_124 = arith.constant 0 : i32
      %dma_start3A_125 = tpu.memref_slice %arg7[%dma_start3A_123, %dma_start3A_124] : memref<32x128xf32, #tpu.memory_space<vmem>> -> memref<1x128xf32, #tpu.memory_space<vmem>>
      %dma_start3A_126 = tpu.memref_squeeze %dma_start3A_125 : memref<1x128xf32, #tpu.memory_space<vmem>> -> memref<128xf32, #tpu.memory_space<vmem>>
      %dma_start3A_127 = arith.constant 0 : i32
      %dma_start3A_128 = tpu.memref_slice %arg3[%arg0, %get3A_41, %dma_start3A_127] : memref<2x50000x128xf32, #tpu.memory_space<any>> -> memref<1x1x128xf32, #tpu.memory_space<any>>
      %dma_start3A_129 = tpu.memref_squeeze %dma_start3A_128 : memref<1x1x128xf32, #tpu.memory_space<any>> -> memref<128xf32, #tpu.memory_space<any>>
      tpu.enqueue_dma source(%dma_start3A_129 : memref<128xf32, #tpu.memory_space<any>>) target(%dma_start3A_126 : memref<128xf32, #tpu.memory_space<vmem>>) target_semaphore(%arg8 : memref<!tpu.dma_semaphore, #tpu.memory_space<semaphore_mem>>)
      %dma_start3A_130 = arith.constant 5 : i32
      %dma_start3A_131 = arith.constant 0 : i32
      %dma_start3A_132 = tpu.memref_slice %arg7[%dma_start3A_130, %dma_start3A_131] : memref<32x128xf32, #tpu.memory_space<vmem>> -> memref<1x128xf32, #tpu.memory_space<vmem>>
      %dma_start3A_133 = tpu.memref_squeeze %dma_start3A_132 : memref<1x128xf32, #tpu.memory_space<vmem>> -> memref<128xf32, #tpu.memory_space<vmem>>
      %dma_start3A_134 = arith.constant 0 : i32
      %dma_start3A_135 = tpu.memref_slice %arg3[%arg0, %get3A_43, %dma_start3A_134] : memref<2x50000x128xf32, #tpu.memory_space<any>> -> memref<1x1x128xf32, #tpu.memory_space<any>>
      %dma_start3A_136 = tpu.memref_squeeze %dma_start3A_135 : memref<1x1x128xf32, #tpu.memory_space<any>> -> memref<128xf32, #tpu.memory_space<any>>
      tpu.enqueue_dma source(%dma_start3A_136 : memref<128xf32, #tpu.memory_space<any>>) target(%dma_start3A_133 : memref<128xf32, #tpu.memory_space<vmem>>) target_semaphore(%arg8 : memref<!tpu.dma_semaphore, #tpu.memory_space<semaphore_mem>>)
      %dma_start3A_137 = arith.constant 6 : i32
      %dma_start3A_138 = arith.constant 0 : i32
      %dma_start3A_139 = tpu.memref_slice %arg7[%dma_start3A_137, %dma_start3A_138] : memref<32x128xf32, #tpu.memory_space<vmem>> -> memref<1x128xf32, #tpu.memory_space<vmem>>
      %dma_start3A_140 = tpu.memref_squeeze %dma_start3A_139 : memref<1x128xf32, #tpu.memory_space<vmem>> -> memref<128xf32, #tpu.memory_space<vmem>>
      %dma_start3A_141 = arith.constant 0 : i32
      %dma_start3A_142 = tpu.memref_slice %arg3[%arg0, %get3A_45, %dma_start3A_141] : memref<2x50000x128xf32, #tpu.memory_space<any>> -> memref<1x1x128xf32, #tpu.memory_space<any>>
      %dma_start3A_143 = tpu.memref_squeeze %dma_start3A_142 : memref<1x1x128xf32, #tpu.memory_space<any>> -> memref<128xf32, #tpu.memory_space<any>>
      tpu.enqueue_dma source(%dma_start3A_143 : memref<128xf32, #tpu.memory_space<any>>) target(%dma_start3A_140 : memref<128xf32, #tpu.memory_space<vmem>>) target_semaphore(%arg8 : memref<!tpu.dma_semaphore, #tpu.memory_space<semaphore_mem>>)
      %dma_start3A_144 = arith.constant 7 : i32
      %dma_start3A_145 = arith.constant 0 : i32
      %dma_start3A_146 = tpu.memref_slice %arg7[%dma_start3A_144, %dma_start3A_145] : memref<32x128xf32, #tpu.memory_space<vmem>> -> memref<1x128xf32, #tpu.memory_space<vmem>>
      %dma_start3A_147 = tpu.memref_squeeze %dma_start3A_146 : memref<1x128xf32, #tpu.memory_space<vmem>> -> memref<128xf32, #tpu.memory_space<vmem>>
      %dma_start3A_148 = arith.constant 0 : i32
      %dma_start3A_149 = tpu.memref_slice %arg3[%arg0, %get3A_47, %dma_start3A_148] : memref<2x50000x128xf32, #tpu.memory_space<any>> -> memref<1x1x128xf32, #tpu.memory_space<any>>
      %dma_start3A_150 = tpu.memref_squeeze %dma_start3A_149 : memref<1x1x128xf32, #tpu.memory_space<any>> -> memref<128xf32, #tpu.memory_space<any>>
      tpu.enqueue_dma source(%dma_start3A_150 : memref<128xf32, #tpu.memory_space<any>>) target(%dma_start3A_147 : memref<128xf32, #tpu.memory_space<vmem>>) target_semaphore(%arg8 : memref<!tpu.dma_semaphore, #tpu.memory_space<semaphore_mem>>)
      %dma_start3A_151 = arith.constant 8 : i32
      %dma_start3A_152 = arith.constant 0 : i32
      %dma_start3A_153 = tpu.memref_slice %arg7[%dma_start3A_151, %dma_start3A_152] : memref<32x128xf32, #tpu.memory_space<vmem>> -> memref<1x128xf32, #tpu.memory_space<vmem>>
      %dma_start3A_154 = tpu.memref_squeeze %dma_start3A_153 : memref<1x128xf32, #tpu.memory_space<vmem>> -> memref<128xf32, #tpu.memory_space<vmem>>
      %dma_start3A_155 = arith.constant 0 : i32
      %dma_start3A_156 = tpu.memref_slice %arg3[%arg0, %get3A_49, %dma_start3A_155] : memref<2x50000x128xf32, #tpu.memory_space<any>> -> memref<1x1x128xf32, #tpu.memory_space<any>>
      %dma_start3A_157 = tpu.memref_squeeze %dma_start3A_156 : memref<1x1x128xf32, #tpu.memory_space<any>> -> memref<128xf32, #tpu.memory_space<any>>
      tpu.enqueue_dma source(%dma_start3A_157 : memref<128xf32, #tpu.memory_space<any>>) target(%dma_start3A_154 : memref<128xf32, #tpu.memory_space<vmem>>) target_semaphore(%arg8 : memref<!tpu.dma_semaphore, #tpu.memory_space<semaphore_mem>>)
      %dma_start3A_158 = arith.constant 9 : i32
      %dma_start3A_159 = arith.constant 0 : i32
      %dma_start3A_160 = tpu.memref_slice %arg7[%dma_start3A_158, %dma_start3A_159] : memref<32x128xf32, #tpu.memory_space<vmem>> -> memref<1x128xf32, #tpu.memory_space<vmem>>
      %dma_start3A_161 = tpu.memref_squeeze %dma_start3A_160 : memref<1x128xf32, #tpu.memory_space<vmem>> -> memref<128xf32, #tpu.memory_space<vmem>>
      %dma_start3A_162 = arith.constant 0 : i32
      %dma_start3A_163 = tpu.memref_slice %arg3[%arg0, %get3A_51, %dma_start3A_162] : memref<2x50000x128xf32, #tpu.memory_space<any>> -> memref<1x1x128xf32, #tpu.memory_space<any>>
      %dma_start3A_164 = tpu.memref_squeeze %dma_start3A_163 : memref<1x1x128xf32, #tpu.memory_space<any>> -> memref<128xf32, #tpu.memory_space<any>>
      tpu.enqueue_dma source(%dma_start3A_164 : memref<128xf32, #tpu.memory_space<any>>) target(%dma_start3A_161 : memref<128xf32, #tpu.memory_space<vmem>>) target_semaphore(%arg8 : memref<!tpu.dma_semaphore, #tpu.memory_space<semaphore_mem>>)
      %dma_start3A_165 = arith.constant 10 : i32
      %dma_start3A_166 = arith.constant 0 : i32
      %dma_start3A_167 = tpu.memref_slice %arg7[%dma_start3A_165, %dma_start3A_166] : memref<32x128xf32, #tpu.memory_space<vmem>> -> memref<1x128xf32, #tpu.memory_space<vmem>>
      %dma_start3A_168 = tpu.memref_squeeze %dma_start3A_167 : memref<1x128xf32, #tpu.memory_space<vmem>> -> memref<128xf32, #tpu.memory_space<vmem>>
      %dma_start3A_169 = arith.constant 0 : i32
      %dma_start3A_170 = tpu.memref_slice %arg3[%arg0, %get3A_53, %dma_start3A_169] : memref<2x50000x128xf32, #tpu.memory_space<any>> -> memref<1x1x128xf32, #tpu.memory_space<any>>
      %dma_start3A_171 = tpu.memref_squeeze %dma_start3A_170 : memref<1x1x128xf32, #tpu.memory_space<any>> -> memref<128xf32, #tpu.memory_space<any>>
      tpu.enqueue_dma source(%dma_start3A_171 : memref<128xf32, #tpu.memory_space<any>>) target(%dma_start3A_168 : memref<128xf32, #tpu.memory_space<vmem>>) target_semaphore(%arg8 : memref<!tpu.dma_semaphore, #tpu.memory_space<semaphore_mem>>)
      %dma_start3A_172 = arith.constant 11 : i32
      %dma_start3A_173 = arith.constant 0 : i32
      %dma_start3A_174 = tpu.memref_slice %arg7[%dma_start3A_172, %dma_start3A_173] : memref<32x128xf32, #tpu.memory_space<vmem>> -> memref<1x128xf32, #tpu.memory_space<vmem>>
      %dma_start3A_175 = tpu.memref_squeeze %dma_start3A_174 : memref<1x128xf32, #tpu.memory_space<vmem>> -> memref<128xf32, #tpu.memory_space<vmem>>
      %dma_start3A_176 = arith.constant 0 : i32
      %dma_start3A_177 = tpu.memref_slice %arg3[%arg0, %get3A_55, %dma_start3A_176] : memref<2x50000x128xf32, #tpu.memory_space<any>> -> memref<1x1x128xf32, #tpu.memory_space<any>>
      %dma_start3A_178 = tpu.memref_squeeze %dma_start3A_177 : memref<1x1x128xf32, #tpu.memory_space<any>> -> memref<128xf32, #tpu.memory_space<any>>
      tpu.enqueue_dma source(%dma_start3A_178 : memref<128xf32, #tpu.memory_space<any>>) target(%dma_start3A_175 : memref<128xf32, #tpu.memory_space<vmem>>) target_semaphore(%arg8 : memref<!tpu.dma_semaphore, #tpu.memory_space<semaphore_mem>>)
      %dma_start3A_179 = arith.constant 12 : i32
      %dma_start3A_180 = arith.constant 0 : i32
      %dma_start3A_181 = tpu.memref_slice %arg7[%dma_start3A_179, %dma_start3A_180] : memref<32x128xf32, #tpu.memory_space<vmem>> -> memref<1x128xf32, #tpu.memory_space<vmem>>
      %dma_start3A_182 = tpu.memref_squeeze %dma_start3A_181 : memref<1x128xf32, #tpu.memory_space<vmem>> -> memref<128xf32, #tpu.memory_space<vmem>>
      %dma_start3A_183 = arith.constant 0 : i32
      %dma_start3A_184 = tpu.memref_slice %arg3[%arg0, %get3A_57, %dma_start3A_183] : memref<2x50000x128xf32, #tpu.memory_space<any>> -> memref<1x1x128xf32, #tpu.memory_space<any>>
      %dma_start3A_185 = tpu.memref_squeeze %dma_start3A_184 : memref<1x1x128xf32, #tpu.memory_space<any>> -> memref<128xf32, #tpu.memory_space<any>>
      tpu.enqueue_dma source(%dma_start3A_185 : memref<128xf32, #tpu.memory_space<any>>) target(%dma_start3A_182 : memref<128xf32, #tpu.memory_space<vmem>>) target_semaphore(%arg8 : memref<!tpu.dma_semaphore, #tpu.memory_space<semaphore_mem>>)
      %dma_start3A_186 = arith.constant 13 : i32
      %dma_start3A_187 = arith.constant 0 : i32
      %dma_start3A_188 = tpu.memref_slice %arg7[%dma_start3A_186, %dma_start3A_187] : memref<32x128xf32, #tpu.memory_space<vmem>> -> memref<1x128xf32, #tpu.memory_space<vmem>>
      %dma_start3A_189 = tpu.memref_squeeze %dma_start3A_188 : memref<1x128xf32, #tpu.memory_space<vmem>> -> memref<128xf32, #tpu.memory_space<vmem>>
      %dma_start3A_190 = arith.constant 0 : i32
      %dma_start3A_191 = tpu.memref_slice %arg3[%arg0, %get3A_59, %dma_start3A_190] : memref<2x50000x128xf32, #tpu.memory_space<any>> -> memref<1x1x128xf32, #tpu.memory_space<any>>
      %dma_start3A_192 = tpu.memref_squeeze %dma_start3A_191 : memref<1x1x128xf32, #tpu.memory_space<any>> -> memref<128xf32, #tpu.memory_space<any>>
      tpu.enqueue_dma source(%dma_start3A_192 : memref<128xf32, #tpu.memory_space<any>>) target(%dma_start3A_189 : memref<128xf32, #tpu.memory_space<vmem>>) target_semaphore(%arg8 : memref<!tpu.dma_semaphore, #tpu.memory_space<semaphore_mem>>)
      %dma_start3A_193 = arith.constant 14 : i32
      %dma_start3A_194 = arith.constant 0 : i32
      %dma_start3A_195 = tpu.memref_slice %arg7[%dma_start3A_193, %dma_start3A_194] : memref<32x128xf32, #tpu.memory_space<vmem>> -> memref<1x128xf32, #tpu.memory_space<vmem>>
      %dma_start3A_196 = tpu.memref_squeeze %dma_start3A_195 : memref<1x128xf32, #tpu.memory_space<vmem>> -> memref<128xf32, #tpu.memory_space<vmem>>
      %dma_start3A_197 = arith.constant 0 : i32
      %dma_start3A_198 = tpu.memref_slice %arg3[%arg0, %get3A_61, %dma_start3A_197] : memref<2x50000x128xf32, #tpu.memory_space<any>> -> memref<1x1x128xf32, #tpu.memory_space<any>>
      %dma_start3A_199 = tpu.memref_squeeze %dma_start3A_198 : memref<1x1x128xf32, #tpu.memory_space<any>> -> memref<128xf32, #tpu.memory_space<any>>
      tpu.enqueue_dma source(%dma_start3A_199 : memref<128xf32, #tpu.memory_space<any>>) target(%dma_start3A_196 : memref<128xf32, #tpu.memory_space<vmem>>) target_semaphore(%arg8 : memref<!tpu.dma_semaphore, #tpu.memory_space<semaphore_mem>>)
      %dma_start3A_200 = arith.constant 15 : i32
      %dma_start3A_201 = arith.constant 0 : i32
      %dma_start3A_202 = tpu.memref_slice %arg7[%dma_start3A_200, %dma_start3A_201] : memref<32x128xf32, #tpu.memory_space<vmem>> -> memref<1x128xf32, #tpu.memory_space<vmem>>
      %dma_start3A_203 = tpu.memref_squeeze %dma_start3A_202 : memref<1x128xf32, #tpu.memory_space<vmem>> -> memref<128xf32, #tpu.memory_space<vmem>>
      %dma_start3A_204 = arith.constant 0 : i32
      %dma_start3A_205 = tpu.memref_slice %arg3[%arg0, %get3A_63, %dma_start3A_204] : memref<2x50000x128xf32, #tpu.memory_space<any>> -> memref<1x1x128xf32, #tpu.memory_space<any>>
      %dma_start3A_206 = tpu.memref_squeeze %dma_start3A_205 : memref<1x1x128xf32, #tpu.memory_space<any>> -> memref<128xf32, #tpu.memory_space<any>>
      tpu.enqueue_dma source(%dma_start3A_206 : memref<128xf32, #tpu.memory_space<any>>) target(%dma_start3A_203 : memref<128xf32, #tpu.memory_space<vmem>>) target_semaphore(%arg8 : memref<!tpu.dma_semaphore, #tpu.memory_space<semaphore_mem>>)
      %dma_start3A_207 = arith.constant 16 : i32
      %dma_start3A_208 = arith.constant 0 : i32
      %dma_start3A_209 = tpu.memref_slice %arg7[%dma_start3A_207, %dma_start3A_208] : memref<32x128xf32, #tpu.memory_space<vmem>> -> memref<1x128xf32, #tpu.memory_space<vmem>>
      %dma_start3A_210 = tpu.memref_squeeze %dma_start3A_209 : memref<1x128xf32, #tpu.memory_space<vmem>> -> memref<128xf32, #tpu.memory_space<vmem>>
      %dma_start3A_211 = arith.constant 0 : i32
      %dma_start3A_212 = tpu.memref_slice %arg3[%arg0, %get3A_65, %dma_start3A_211] : memref<2x50000x128xf32, #tpu.memory_space<any>> -> memref<1x1x128xf32, #tpu.memory_space<any>>
      %dma_start3A_213 = tpu.memref_squeeze %dma_start3A_212 : memref<1x1x128xf32, #tpu.memory_space<any>> -> memref<128xf32, #tpu.memory_space<any>>
      tpu.enqueue_dma source(%dma_start3A_213 : memref<128xf32, #tpu.memory_space<any>>) target(%dma_start3A_210 : memref<128xf32, #tpu.memory_space<vmem>>) target_semaphore(%arg8 : memref<!tpu.dma_semaphore, #tpu.memory_space<semaphore_mem>>)
      %dma_start3A_214 = arith.constant 17 : i32
      %dma_start3A_215 = arith.constant 0 : i32
      %dma_start3A_216 = tpu.memref_slice %arg7[%dma_start3A_214, %dma_start3A_215] : memref<32x128xf32, #tpu.memory_space<vmem>> -> memref<1x128xf32, #tpu.memory_space<vmem>>
      %dma_start3A_217 = tpu.memref_squeeze %dma_start3A_216 : memref<1x128xf32, #tpu.memory_space<vmem>> -> memref<128xf32, #tpu.memory_space<vmem>>
      %dma_start3A_218 = arith.constant 0 : i32
      %dma_start3A_219 = tpu.memref_slice %arg3[%arg0, %get3A_67, %dma_start3A_218] : memref<2x50000x128xf32, #tpu.memory_space<any>> -> memref<1x1x128xf32, #tpu.memory_space<any>>
      %dma_start3A_220 = tpu.memref_squeeze %dma_start3A_219 : memref<1x1x128xf32, #tpu.memory_space<any>> -> memref<128xf32, #tpu.memory_space<any>>
      tpu.enqueue_dma source(%dma_start3A_220 : memref<128xf32, #tpu.memory_space<any>>) target(%dma_start3A_217 : memref<128xf32, #tpu.memory_space<vmem>>) target_semaphore(%arg8 : memref<!tpu.dma_semaphore, #tpu.memory_space<semaphore_mem>>)
      %dma_start3A_221 = arith.constant 18 : i32
      %dma_start3A_222 = arith.constant 0 : i32
      %dma_start3A_223 = tpu.memref_slice %arg7[%dma_start3A_221, %dma_start3A_222] : memref<32x128xf32, #tpu.memory_space<vmem>> -> memref<1x128xf32, #tpu.memory_space<vmem>>
      %dma_start3A_224 = tpu.memref_squeeze %dma_start3A_223 : memref<1x128xf32, #tpu.memory_space<vmem>> -> memref<128xf32, #tpu.memory_space<vmem>>
      %dma_start3A_225 = arith.constant 0 : i32
      %dma_start3A_226 = tpu.memref_slice %arg3[%arg0, %get3A_69, %dma_start3A_225] : memref<2x50000x128xf32, #tpu.memory_space<any>> -> memref<1x1x128xf32, #tpu.memory_space<any>>
      %dma_start3A_227 = tpu.memref_squeeze %dma_start3A_226 : memref<1x1x128xf32, #tpu.memory_space<any>> -> memref<128xf32, #tpu.memory_space<any>>
      tpu.enqueue_dma source(%dma_start3A_227 : memref<128xf32, #tpu.memory_space<any>>) target(%dma_start3A_224 : memref<128xf32, #tpu.memory_space<vmem>>) target_semaphore(%arg8 : memref<!tpu.dma_semaphore, #tpu.memory_space<semaphore_mem>>)
      %dma_start3A_228 = arith.constant 19 : i32
      %dma_start3A_229 = arith.constant 0 : i32
      %dma_start3A_230 = tpu.memref_slice %arg7[%dma_start3A_228, %dma_start3A_229] : memref<32x128xf32, #tpu.memory_space<vmem>> -> memref<1x128xf32, #tpu.memory_space<vmem>>
      %dma_start3A_231 = tpu.memref_squeeze %dma_start3A_230 : memref<1x128xf32, #tpu.memory_space<vmem>> -> memref<128xf32, #tpu.memory_space<vmem>>
      %dma_start3A_232 = arith.constant 0 : i32
      %dma_start3A_233 = tpu.memref_slice %arg3[%arg0, %get3A_71, %dma_start3A_232] : memref<2x50000x128xf32, #tpu.memory_space<any>> -> memref<1x1x128xf32, #tpu.memory_space<any>>
      %dma_start3A_234 = tpu.memref_squeeze %dma_start3A_233 : memref<1x1x128xf32, #tpu.memory_space<any>> -> memref<128xf32, #tpu.memory_space<any>>
      tpu.enqueue_dma source(%dma_start3A_234 : memref<128xf32, #tpu.memory_space<any>>) target(%dma_start3A_231 : memref<128xf32, #tpu.memory_space<vmem>>) target_semaphore(%arg8 : memref<!tpu.dma_semaphore, #tpu.memory_space<semaphore_mem>>)
      %dma_start3A_235 = arith.constant 20 : i32
      %dma_start3A_236 = arith.constant 0 : i32
      %dma_start3A_237 = tpu.memref_slice %arg7[%dma_start3A_235, %dma_start3A_236] : memref<32x128xf32, #tpu.memory_space<vmem>> -> memref<1x128xf32, #tpu.memory_space<vmem>>
      %dma_start3A_238 = tpu.memref_squeeze %dma_start3A_237 : memref<1x128xf32, #tpu.memory_space<vmem>> -> memref<128xf32, #tpu.memory_space<vmem>>
      %dma_start3A_239 = arith.constant 0 : i32
      %dma_start3A_240 = tpu.memref_slice %arg3[%arg0, %get3A_73, %dma_start3A_239] : memref<2x50000x128xf32, #tpu.memory_space<any>> -> memref<1x1x128xf32, #tpu.memory_space<any>>
      %dma_start3A_241 = tpu.memref_squeeze %dma_start3A_240 : memref<1x1x128xf32, #tpu.memory_space<any>> -> memref<128xf32, #tpu.memory_space<any>>
      tpu.enqueue_dma source(%dma_start3A_241 : memref<128xf32, #tpu.memory_space<any>>) target(%dma_start3A_238 : memref<128xf32, #tpu.memory_space<vmem>>) target_semaphore(%arg8 : memref<!tpu.dma_semaphore, #tpu.memory_space<semaphore_mem>>)
      %dma_start3A_242 = arith.constant 21 : i32
      %dma_start3A_243 = arith.constant 0 : i32
      %dma_start3A_244 = tpu.memref_slice %arg7[%dma_start3A_242, %dma_start3A_243] : memref<32x128xf32, #tpu.memory_space<vmem>> -> memref<1x128xf32, #tpu.memory_space<vmem>>
      %dma_start3A_245 = tpu.memref_squeeze %dma_start3A_244 : memref<1x128xf32, #tpu.memory_space<vmem>> -> memref<128xf32, #tpu.memory_space<vmem>>
      %dma_start3A_246 = arith.constant 0 : i32
      %dma_start3A_247 = tpu.memref_slice %arg3[%arg0, %get3A_75, %dma_start3A_246] : memref<2x50000x128xf32, #tpu.memory_space<any>> -> memref<1x1x128xf32, #tpu.memory_space<any>>
      %dma_start3A_248 = tpu.memref_squeeze %dma_start3A_247 : memref<1x1x128xf32, #tpu.memory_space<any>> -> memref<128xf32, #tpu.memory_space<any>>
      tpu.enqueue_dma source(%dma_start3A_248 : memref<128xf32, #tpu.memory_space<any>>) target(%dma_start3A_245 : memref<128xf32, #tpu.memory_space<vmem>>) target_semaphore(%arg8 : memref<!tpu.dma_semaphore, #tpu.memory_space<semaphore_mem>>)
      %dma_start3A_249 = arith.constant 22 : i32
      %dma_start3A_250 = arith.constant 0 : i32
      %dma_start3A_251 = tpu.memref_slice %arg7[%dma_start3A_249, %dma_start3A_250] : memref<32x128xf32, #tpu.memory_space<vmem>> -> memref<1x128xf32, #tpu.memory_space<vmem>>
      %dma_start3A_252 = tpu.memref_squeeze %dma_start3A_251 : memref<1x128xf32, #tpu.memory_space<vmem>> -> memref<128xf32, #tpu.memory_space<vmem>>
      %dma_start3A_253 = arith.constant 0 : i32
      %dma_start3A_254 = tpu.memref_slice %arg3[%arg0, %get3A_77, %dma_start3A_253] : memref<2x50000x128xf32, #tpu.memory_space<any>> -> memref<1x1x128xf32, #tpu.memory_space<any>>
      %dma_start3A_255 = tpu.memref_squeeze %dma_start3A_254 : memref<1x1x128xf32, #tpu.memory_space<any>> -> memref<128xf32, #tpu.memory_space<any>>
      tpu.enqueue_dma source(%dma_start3A_255 : memref<128xf32, #tpu.memory_space<any>>) target(%dma_start3A_252 : memref<128xf32, #tpu.memory_space<vmem>>) target_semaphore(%arg8 : memref<!tpu.dma_semaphore, #tpu.memory_space<semaphore_mem>>)
      %dma_start3A_256 = arith.constant 23 : i32
      %dma_start3A_257 = arith.constant 0 : i32
      %dma_start3A_258 = tpu.memref_slice %arg7[%dma_start3A_256, %dma_start3A_257] : memref<32x128xf32, #tpu.memory_space<vmem>> -> memref<1x128xf32, #tpu.memory_space<vmem>>
      %dma_start3A_259 = tpu.memref_squeeze %dma_start3A_258 : memref<1x128xf32, #tpu.memory_space<vmem>> -> memref<128xf32, #tpu.memory_space<vmem>>
      %dma_start3A_260 = arith.constant 0 : i32
      %dma_start3A_261 = tpu.memref_slice %arg3[%arg0, %get3A_79, %dma_start3A_260] : memref<2x50000x128xf32, #tpu.memory_space<any>> -> memref<1x1x128xf32, #tpu.memory_space<any>>
      %dma_start3A_262 = tpu.memref_squeeze %dma_start3A_261 : memref<1x1x128xf32, #tpu.memory_space<any>> -> memref<128xf32, #tpu.memory_space<any>>
      tpu.enqueue_dma source(%dma_start3A_262 : memref<128xf32, #tpu.memory_space<any>>) target(%dma_start3A_259 : memref<128xf32, #tpu.memory_space<vmem>>) target_semaphore(%arg8 : memref<!tpu.dma_semaphore, #tpu.memory_space<semaphore_mem>>)
      %dma_start3A_263 = arith.constant 24 : i32
      %dma_start3A_264 = arith.constant 0 : i32
      %dma_start3A_265 = tpu.memref_slice %arg7[%dma_start3A_263, %dma_start3A_264] : memref<32x128xf32, #tpu.memory_space<vmem>> -> memref<1x128xf32, #tpu.memory_space<vmem>>
      %dma_start3A_266 = tpu.memref_squeeze %dma_start3A_265 : memref<1x128xf32, #tpu.memory_space<vmem>> -> memref<128xf32, #tpu.memory_space<vmem>>
      %dma_start3A_267 = arith.constant 0 : i32
      %dma_start3A_268 = tpu.memref_slice %arg3[%arg0, %get3A_81, %dma_start3A_267] : memref<2x50000x128xf32, #tpu.memory_space<any>> -> memref<1x1x128xf32, #tpu.memory_space<any>>
      %dma_start3A_269 = tpu.memref_squeeze %dma_start3A_268 : memref<1x1x128xf32, #tpu.memory_space<any>> -> memref<128xf32, #tpu.memory_space<any>>
      tpu.enqueue_dma source(%dma_start3A_269 : memref<128xf32, #tpu.memory_space<any>>) target(%dma_start3A_266 : memref<128xf32, #tpu.memory_space<vmem>>) target_semaphore(%arg8 : memref<!tpu.dma_semaphore, #tpu.memory_space<semaphore_mem>>)
      %dma_start3A_270 = arith.constant 25 : i32
      %dma_start3A_271 = arith.constant 0 : i32
      %dma_start3A_272 = tpu.memref_slice %arg7[%dma_start3A_270, %dma_start3A_271] : memref<32x128xf32, #tpu.memory_space<vmem>> -> memref<1x128xf32, #tpu.memory_space<vmem>>
      %dma_start3A_273 = tpu.memref_squeeze %dma_start3A_272 : memref<1x128xf32, #tpu.memory_space<vmem>> -> memref<128xf32, #tpu.memory_space<vmem>>
      %dma_start3A_274 = arith.constant 0 : i32
      %dma_start3A_275 = tpu.memref_slice %arg3[%arg0, %get3A_83, %dma_start3A_274] : memref<2x50000x128xf32, #tpu.memory_space<any>> -> memref<1x1x128xf32, #tpu.memory_space<any>>
      %dma_start3A_276 = tpu.memref_squeeze %dma_start3A_275 : memref<1x1x128xf32, #tpu.memory_space<any>> -> memref<128xf32, #tpu.memory_space<any>>
      tpu.enqueue_dma source(%dma_start3A_276 : memref<128xf32, #tpu.memory_space<any>>) target(%dma_start3A_273 : memref<128xf32, #tpu.memory_space<vmem>>) target_semaphore(%arg8 : memref<!tpu.dma_semaphore, #tpu.memory_space<semaphore_mem>>)
      %dma_start3A_277 = arith.constant 26 : i32
      %dma_start3A_278 = arith.constant 0 : i32
      %dma_start3A_279 = tpu.memref_slice %arg7[%dma_start3A_277, %dma_start3A_278] : memref<32x128xf32, #tpu.memory_space<vmem>> -> memref<1x128xf32, #tpu.memory_space<vmem>>
      %dma_start3A_280 = tpu.memref_squeeze %dma_start3A_279 : memref<1x128xf32, #tpu.memory_space<vmem>> -> memref<128xf32, #tpu.memory_space<vmem>>
      %dma_start3A_281 = arith.constant 0 : i32
      %dma_start3A_282 = tpu.memref_slice %arg3[%arg0, %get3A_85, %dma_start3A_281] : memref<2x50000x128xf32, #tpu.memory_space<any>> -> memref<1x1x128xf32, #tpu.memory_space<any>>
      %dma_start3A_283 = tpu.memref_squeeze %dma_start3A_282 : memref<1x1x128xf32, #tpu.memory_space<any>> -> memref<128xf32, #tpu.memory_space<any>>
      tpu.enqueue_dma source(%dma_start3A_283 : memref<128xf32, #tpu.memory_space<any>>) target(%dma_start3A_280 : memref<128xf32, #tpu.memory_space<vmem>>) target_semaphore(%arg8 : memref<!tpu.dma_semaphore, #tpu.memory_space<semaphore_mem>>)
      %dma_start3A_284 = arith.constant 27 : i32
      %dma_start3A_285 = arith.constant 0 : i32
      %dma_start3A_286 = tpu.memref_slice %arg7[%dma_start3A_284, %dma_start3A_285] : memref<32x128xf32, #tpu.memory_space<vmem>> -> memref<1x128xf32, #tpu.memory_space<vmem>>
      %dma_start3A_287 = tpu.memref_squeeze %dma_start3A_286 : memref<1x128xf32, #tpu.memory_space<vmem>> -> memref<128xf32, #tpu.memory_space<vmem>>
      %dma_start3A_288 = arith.constant 0 : i32
      %dma_start3A_289 = tpu.memref_slice %arg3[%arg0, %get3A_87, %dma_start3A_288] : memref<2x50000x128xf32, #tpu.memory_space<any>> -> memref<1x1x128xf32, #tpu.memory_space<any>>
      %dma_start3A_290 = tpu.memref_squeeze %dma_start3A_289 : memref<1x1x128xf32, #tpu.memory_space<any>> -> memref<128xf32, #tpu.memory_space<any>>
      tpu.enqueue_dma source(%dma_start3A_290 : memref<128xf32, #tpu.memory_space<any>>) target(%dma_start3A_287 : memref<128xf32, #tpu.memory_space<vmem>>) target_semaphore(%arg8 : memref<!tpu.dma_semaphore, #tpu.memory_space<semaphore_mem>>)
      %dma_start3A_291 = arith.constant 28 : i32
      %dma_start3A_292 = arith.constant 0 : i32
      %dma_start3A_293 = tpu.memref_slice %arg7[%dma_start3A_291, %dma_start3A_292] : memref<32x128xf32, #tpu.memory_space<vmem>> -> memref<1x128xf32, #tpu.memory_space<vmem>>
      %dma_start3A_294 = tpu.memref_squeeze %dma_start3A_293 : memref<1x128xf32, #tpu.memory_space<vmem>> -> memref<128xf32, #tpu.memory_space<vmem>>
      %dma_start3A_295 = arith.constant 0 : i32
      %dma_start3A_296 = tpu.memref_slice %arg3[%arg0, %get3A_89, %dma_start3A_295] : memref<2x50000x128xf32, #tpu.memory_space<any>> -> memref<1x1x128xf32, #tpu.memory_space<any>>
      %dma_start3A_297 = tpu.memref_squeeze %dma_start3A_296 : memref<1x1x128xf32, #tpu.memory_space<any>> -> memref<128xf32, #tpu.memory_space<any>>
      tpu.enqueue_dma source(%dma_start3A_297 : memref<128xf32, #tpu.memory_space<any>>) target(%dma_start3A_294 : memref<128xf32, #tpu.memory_space<vmem>>) target_semaphore(%arg8 : memref<!tpu.dma_semaphore, #tpu.memory_space<semaphore_mem>>)
      %dma_start3A_298 = arith.constant 29 : i32
      %dma_start3A_299 = arith.constant 0 : i32
      %dma_start3A_300 = tpu.memref_slice %arg7[%dma_start3A_298, %dma_start3A_299] : memref<32x128xf32, #tpu.memory_space<vmem>> -> memref<1x128xf32, #tpu.memory_space<vmem>>
      %dma_start3A_301 = tpu.memref_squeeze %dma_start3A_300 : memref<1x128xf32, #tpu.memory_space<vmem>> -> memref<128xf32, #tpu.memory_space<vmem>>
      %dma_start3A_302 = arith.constant 0 : i32
      %dma_start3A_303 = tpu.memref_slice %arg3[%arg0, %get3A_91, %dma_start3A_302] : memref<2x50000x128xf32, #tpu.memory_space<any>> -> memref<1x1x128xf32, #tpu.memory_space<any>>
      %dma_start3A_304 = tpu.memref_squeeze %dma_start3A_303 : memref<1x1x128xf32, #tpu.memory_space<any>> -> memref<128xf32, #tpu.memory_space<any>>
      tpu.enqueue_dma source(%dma_start3A_304 : memref<128xf32, #tpu.memory_space<any>>) target(%dma_start3A_301 : memref<128xf32, #tpu.memory_space<vmem>>) target_semaphore(%arg8 : memref<!tpu.dma_semaphore, #tpu.memory_space<semaphore_mem>>)
      %dma_start3A_305 = arith.constant 30 : i32
      %dma_start3A_306 = arith.constant 0 : i32
      %dma_start3A_307 = tpu.memref_slice %arg7[%dma_start3A_305, %dma_start3A_306] : memref<32x128xf32, #tpu.memory_space<vmem>> -> memref<1x128xf32, #tpu.memory_space<vmem>>
      %dma_start3A_308 = tpu.memref_squeeze %dma_start3A_307 : memref<1x128xf32, #tpu.memory_space<vmem>> -> memref<128xf32, #tpu.memory_space<vmem>>
      %dma_start3A_309 = arith.constant 0 : i32
      %dma_start3A_310 = tpu.memref_slice %arg3[%arg0, %get3A_93, %dma_start3A_309] : memref<2x50000x128xf32, #tpu.memory_space<any>> -> memref<1x1x128xf32, #tpu.memory_space<any>>
      %dma_start3A_311 = tpu.memref_squeeze %dma_start3A_310 : memref<1x1x128xf32, #tpu.memory_space<any>> -> memref<128xf32, #tpu.memory_space<any>>
      tpu.enqueue_dma source(%dma_start3A_311 : memref<128xf32, #tpu.memory_space<any>>) target(%dma_start3A_308 : memref<128xf32, #tpu.memory_space<vmem>>) target_semaphore(%arg8 : memref<!tpu.dma_semaphore, #tpu.memory_space<semaphore_mem>>)
      %dma_start3A_312 = arith.constant 31 : i32
      %dma_start3A_313 = arith.constant 0 : i32
      %dma_start3A_314 = tpu.memref_slice %arg7[%dma_start3A_312, %dma_start3A_313] : memref<32x128xf32, #tpu.memory_space<vmem>> -> memref<1x128xf32, #tpu.memory_space<vmem>>
      %dma_start3A_315 = tpu.memref_squeeze %dma_start3A_314 : memref<1x128xf32, #tpu.memory_space<vmem>> -> memref<128xf32, #tpu.memory_space<vmem>>
      %dma_start3A_316 = arith.constant 0 : i32
      %dma_start3A_317 = tpu.memref_slice %arg3[%arg0, %get3A_95, %dma_start3A_316] : memref<2x50000x128xf32, #tpu.memory_space<any>> -> memref<1x1x128xf32, #tpu.memory_space<any>>
      %dma_start3A_318 = tpu.memref_squeeze %dma_start3A_317 : memref<1x1x128xf32, #tpu.memory_space<any>> -> memref<128xf32, #tpu.memory_space<any>>
      tpu.enqueue_dma source(%dma_start3A_318 : memref<128xf32, #tpu.memory_space<any>>) target(%dma_start3A_315 : memref<128xf32, #tpu.memory_space<vmem>>) target_semaphore(%arg8 : memref<!tpu.dma_semaphore, #tpu.memory_space<semaphore_mem>>)
      %dma_wait3A = arith.constant 0 : i32
      %dma_wait3A_319 = arith.constant 0 : i32
      %dma_wait3A_320 = tpu.memref_slice %arg7[%dma_wait3A, %dma_wait3A_319] : memref<32x128xf32, #tpu.memory_space<vmem>> -> memref<1x128xf32, #tpu.memory_space<vmem>>
      %dma_wait3A_321 = tpu.memref_squeeze %dma_wait3A_320 : memref<1x128xf32, #tpu.memory_space<vmem>> -> memref<128xf32, #tpu.memory_space<vmem>>
      %dma_wait3A_322 = arith.constant 0 : i32
      %dma_wait3A_323 = tpu.memref_slice %arg3[%arg0, %get3A_33, %dma_wait3A_322] : memref<2x50000x128xf32, #tpu.memory_space<any>> -> memref<1x1x128xf32, #tpu.memory_space<any>>
      %dma_wait3A_324 = tpu.memref_squeeze %dma_wait3A_323 : memref<1x1x128xf32, #tpu.memory_space<any>> -> memref<128xf32, #tpu.memory_space<any>>
      tpu.wait_dma2 semaphore(%arg8 : memref<!tpu.dma_semaphore, #tpu.memory_space<semaphore_mem>>) src(%dma_wait3A_324 : memref<128xf32, #tpu.memory_space<any>>) dst(%dma_wait3A_321 : memref<128xf32, #tpu.memory_space<vmem>>)
      %dma_wait3A_325 = arith.constant 1 : i32
      %dma_wait3A_326 = arith.constant 0 : i32
      %dma_wait3A_327 = tpu.memref_slice %arg7[%dma_wait3A_325, %dma_wait3A_326] : memref<32x128xf32, #tpu.memory_space<vmem>> -> memref<1x128xf32, #tpu.memory_space<vmem>>
      %dma_wait3A_328 = tpu.memref_squeeze %dma_wait3A_327 : memref<1x128xf32, #tpu.memory_space<vmem>> -> memref<128xf32, #tpu.memory_space<vmem>>
      %dma_wait3A_329 = arith.constant 0 : i32
      %dma_wait3A_330 = tpu.memref_slice %arg3[%arg0, %get3A_35, %dma_wait3A_329] : memref<2x50000x128xf32, #tpu.memory_space<any>> -> memref<1x1x128xf32, #tpu.memory_space<any>>
      %dma_wait3A_331 = tpu.memref_squeeze %dma_wait3A_330 : memref<1x1x128xf32, #tpu.memory_space<any>> -> memref<128xf32, #tpu.memory_space<any>>
      tpu.wait_dma2 semaphore(%arg8 : memref<!tpu.dma_semaphore, #tpu.memory_space<semaphore_mem>>) src(%dma_wait3A_331 : memref<128xf32, #tpu.memory_space<any>>) dst(%dma_wait3A_328 : memref<128xf32, #tpu.memory_space<vmem>>)
      %dma_wait3A_332 = arith.constant 2 : i32
      %dma_wait3A_333 = arith.constant 0 : i32
      %dma_wait3A_334 = tpu.memref_slice %arg7[%dma_wait3A_332, %dma_wait3A_333] : memref<32x128xf32, #tpu.memory_space<vmem>> -> memref<1x128xf32, #tpu.memory_space<vmem>>
      %dma_wait3A_335 = tpu.memref_squeeze %dma_wait3A_334 : memref<1x128xf32, #tpu.memory_space<vmem>> -> memref<128xf32, #tpu.memory_space<vmem>>
      %dma_wait3A_336 = arith.constant 0 : i32
      %dma_wait3A_337 = tpu.memref_slice %arg3[%arg0, %get3A_37, %dma_wait3A_336] : memref<2x50000x128xf32, #tpu.memory_space<any>> -> memref<1x1x128xf32, #tpu.memory_space<any>>
      %dma_wait3A_338 = tpu.memref_squeeze %dma_wait3A_337 : memref<1x1x128xf32, #tpu.memory_space<any>> -> memref<128xf32, #tpu.memory_space<any>>
      tpu.wait_dma2 semaphore(%arg8 : memref<!tpu.dma_semaphore, #tpu.memory_space<semaphore_mem>>) src(%dma_wait3A_338 : memref<128xf32, #tpu.memory_space<any>>) dst(%dma_wait3A_335 : memref<128xf32, #tpu.memory_space<vmem>>)
      %dma_wait3A_339 = arith.constant 3 : i32
      %dma_wait3A_340 = arith.constant 0 : i32
      %dma_wait3A_341 = tpu.memref_slice %arg7[%dma_wait3A_339, %dma_wait3A_340] : memref<32x128xf32, #tpu.memory_space<vmem>> -> memref<1x128xf32, #tpu.memory_space<vmem>>
      %dma_wait3A_342 = tpu.memref_squeeze %dma_wait3A_341 : memref<1x128xf32, #tpu.memory_space<vmem>> -> memref<128xf32, #tpu.memory_space<vmem>>
      %dma_wait3A_343 = arith.constant 0 : i32
      %dma_wait3A_344 = tpu.memref_slice %arg3[%arg0, %get3A_39, %dma_wait3A_343] : memref<2x50000x128xf32, #tpu.memory_space<any>> -> memref<1x1x128xf32, #tpu.memory_space<any>>
      %dma_wait3A_345 = tpu.memref_squeeze %dma_wait3A_344 : memref<1x1x128xf32, #tpu.memory_space<any>> -> memref<128xf32, #tpu.memory_space<any>>
      tpu.wait_dma2 semaphore(%arg8 : memref<!tpu.dma_semaphore, #tpu.memory_space<semaphore_mem>>) src(%dma_wait3A_345 : memref<128xf32, #tpu.memory_space<any>>) dst(%dma_wait3A_342 : memref<128xf32, #tpu.memory_space<vmem>>)
      %dma_wait3A_346 = arith.constant 4 : i32
      %dma_wait3A_347 = arith.constant 0 : i32
      %dma_wait3A_348 = tpu.memref_slice %arg7[%dma_wait3A_346, %dma_wait3A_347] : memref<32x128xf32, #tpu.memory_space<vmem>> -> memref<1x128xf32, #tpu.memory_space<vmem>>
      %dma_wait3A_349 = tpu.memref_squeeze %dma_wait3A_348 : memref<1x128xf32, #tpu.memory_space<vmem>> -> memref<128xf32, #tpu.memory_space<vmem>>
      %dma_wait3A_350 = arith.constant 0 : i32
      %dma_wait3A_351 = tpu.memref_slice %arg3[%arg0, %get3A_41, %dma_wait3A_350] : memref<2x50000x128xf32, #tpu.memory_space<any>> -> memref<1x1x128xf32, #tpu.memory_space<any>>
      %dma_wait3A_352 = tpu.memref_squeeze %dma_wait3A_351 : memref<1x1x128xf32, #tpu.memory_space<any>> -> memref<128xf32, #tpu.memory_space<any>>
      tpu.wait_dma2 semaphore(%arg8 : memref<!tpu.dma_semaphore, #tpu.memory_space<semaphore_mem>>) src(%dma_wait3A_352 : memref<128xf32, #tpu.memory_space<any>>) dst(%dma_wait3A_349 : memref<128xf32, #tpu.memory_space<vmem>>)
      %dma_wait3A_353 = arith.constant 5 : i32
      %dma_wait3A_354 = arith.constant 0 : i32
      %dma_wait3A_355 = tpu.memref_slice %arg7[%dma_wait3A_353, %dma_wait3A_354] : memref<32x128xf32, #tpu.memory_space<vmem>> -> memref<1x128xf32, #tpu.memory_space<vmem>>
      %dma_wait3A_356 = tpu.memref_squeeze %dma_wait3A_355 : memref<1x128xf32, #tpu.memory_space<vmem>> -> memref<128xf32, #tpu.memory_space<vmem>>
      %dma_wait3A_357 = arith.constant 0 : i32
      %dma_wait3A_358 = tpu.memref_slice %arg3[%arg0, %get3A_43, %dma_wait3A_357] : memref<2x50000x128xf32, #tpu.memory_space<any>> -> memref<1x1x128xf32, #tpu.memory_space<any>>
      %dma_wait3A_359 = tpu.memref_squeeze %dma_wait3A_358 : memref<1x1x128xf32, #tpu.memory_space<any>> -> memref<128xf32, #tpu.memory_space<any>>
      tpu.wait_dma2 semaphore(%arg8 : memref<!tpu.dma_semaphore, #tpu.memory_space<semaphore_mem>>) src(%dma_wait3A_359 : memref<128xf32, #tpu.memory_space<any>>) dst(%dma_wait3A_356 : memref<128xf32, #tpu.memory_space<vmem>>)
      %dma_wait3A_360 = arith.constant 6 : i32
      %dma_wait3A_361 = arith.constant 0 : i32
      %dma_wait3A_362 = tpu.memref_slice %arg7[%dma_wait3A_360, %dma_wait3A_361] : memref<32x128xf32, #tpu.memory_space<vmem>> -> memref<1x128xf32, #tpu.memory_space<vmem>>
      %dma_wait3A_363 = tpu.memref_squeeze %dma_wait3A_362 : memref<1x128xf32, #tpu.memory_space<vmem>> -> memref<128xf32, #tpu.memory_space<vmem>>
      %dma_wait3A_364 = arith.constant 0 : i32
      %dma_wait3A_365 = tpu.memref_slice %arg3[%arg0, %get3A_45, %dma_wait3A_364] : memref<2x50000x128xf32, #tpu.memory_space<any>> -> memref<1x1x128xf32, #tpu.memory_space<any>>
      %dma_wait3A_366 = tpu.memref_squeeze %dma_wait3A_365 : memref<1x1x128xf32, #tpu.memory_space<any>> -> memref<128xf32, #tpu.memory_space<any>>
      tpu.wait_dma2 semaphore(%arg8 : memref<!tpu.dma_semaphore, #tpu.memory_space<semaphore_mem>>) src(%dma_wait3A_366 : memref<128xf32, #tpu.memory_space<any>>) dst(%dma_wait3A_363 : memref<128xf32, #tpu.memory_space<vmem>>)
      %dma_wait3A_367 = arith.constant 7 : i32
      %dma_wait3A_368 = arith.constant 0 : i32
      %dma_wait3A_369 = tpu.memref_slice %arg7[%dma_wait3A_367, %dma_wait3A_368] : memref<32x128xf32, #tpu.memory_space<vmem>> -> memref<1x128xf32, #tpu.memory_space<vmem>>
      %dma_wait3A_370 = tpu.memref_squeeze %dma_wait3A_369 : memref<1x128xf32, #tpu.memory_space<vmem>> -> memref<128xf32, #tpu.memory_space<vmem>>
      %dma_wait3A_371 = arith.constant 0 : i32
      %dma_wait3A_372 = tpu.memref_slice %arg3[%arg0, %get3A_47, %dma_wait3A_371] : memref<2x50000x128xf32, #tpu.memory_space<any>> -> memref<1x1x128xf32, #tpu.memory_space<any>>
      %dma_wait3A_373 = tpu.memref_squeeze %dma_wait3A_372 : memref<1x1x128xf32, #tpu.memory_space<any>> -> memref<128xf32, #tpu.memory_space<any>>
      tpu.wait_dma2 semaphore(%arg8 : memref<!tpu.dma_semaphore, #tpu.memory_space<semaphore_mem>>) src(%dma_wait3A_373 : memref<128xf32, #tpu.memory_space<any>>) dst(%dma_wait3A_370 : memref<128xf32, #tpu.memory_space<vmem>>)
      %dma_wait3A_374 = arith.constant 8 : i32
      %dma_wait3A_375 = arith.constant 0 : i32
      %dma_wait3A_376 = tpu.memref_slice %arg7[%dma_wait3A_374, %dma_wait3A_375] : memref<32x128xf32, #tpu.memory_space<vmem>> -> memref<1x128xf32, #tpu.memory_space<vmem>>
      %dma_wait3A_377 = tpu.memref_squeeze %dma_wait3A_376 : memref<1x128xf32, #tpu.memory_space<vmem>> -> memref<128xf32, #tpu.memory_space<vmem>>
      %dma_wait3A_378 = arith.constant 0 : i32
      %dma_wait3A_379 = tpu.memref_slice %arg3[%arg0, %get3A_49, %dma_wait3A_378] : memref<2x50000x128xf32, #tpu.memory_space<any>> -> memref<1x1x128xf32, #tpu.memory_space<any>>
      %dma_wait3A_380 = tpu.memref_squeeze %dma_wait3A_379 : memref<1x1x128xf32, #tpu.memory_space<any>> -> memref<128xf32, #tpu.memory_space<any>>
      tpu.wait_dma2 semaphore(%arg8 : memref<!tpu.dma_semaphore, #tpu.memory_space<semaphore_mem>>) src(%dma_wait3A_380 : memref<128xf32, #tpu.memory_space<any>>) dst(%dma_wait3A_377 : memref<128xf32, #tpu.memory_space<vmem>>)
      %dma_wait3A_381 = arith.constant 9 : i32
      %dma_wait3A_382 = arith.constant 0 : i32
      %dma_wait3A_383 = tpu.memref_slice %arg7[%dma_wait3A_381, %dma_wait3A_382] : memref<32x128xf32, #tpu.memory_space<vmem>> -> memref<1x128xf32, #tpu.memory_space<vmem>>
      %dma_wait3A_384 = tpu.memref_squeeze %dma_wait3A_383 : memref<1x128xf32, #tpu.memory_space<vmem>> -> memref<128xf32, #tpu.memory_space<vmem>>
      %dma_wait3A_385 = arith.constant 0 : i32
      %dma_wait3A_386 = tpu.memref_slice %arg3[%arg0, %get3A_51, %dma_wait3A_385] : memref<2x50000x128xf32, #tpu.memory_space<any>> -> memref<1x1x128xf32, #tpu.memory_space<any>>
      %dma_wait3A_387 = tpu.memref_squeeze %dma_wait3A_386 : memref<1x1x128xf32, #tpu.memory_space<any>> -> memref<128xf32, #tpu.memory_space<any>>
      tpu.wait_dma2 semaphore(%arg8 : memref<!tpu.dma_semaphore, #tpu.memory_space<semaphore_mem>>) src(%dma_wait3A_387 : memref<128xf32, #tpu.memory_space<any>>) dst(%dma_wait3A_384 : memref<128xf32, #tpu.memory_space<vmem>>)
      %dma_wait3A_388 = arith.constant 10 : i32
      %dma_wait3A_389 = arith.constant 0 : i32
      %dma_wait3A_390 = tpu.memref_slice %arg7[%dma_wait3A_388, %dma_wait3A_389] : memref<32x128xf32, #tpu.memory_space<vmem>> -> memref<1x128xf32, #tpu.memory_space<vmem>>
      %dma_wait3A_391 = tpu.memref_squeeze %dma_wait3A_390 : memref<1x128xf32, #tpu.memory_space<vmem>> -> memref<128xf32, #tpu.memory_space<vmem>>
      %dma_wait3A_392 = arith.constant 0 : i32
      %dma_wait3A_393 = tpu.memref_slice %arg3[%arg0, %get3A_53, %dma_wait3A_392] : memref<2x50000x128xf32, #tpu.memory_space<any>> -> memref<1x1x128xf32, #tpu.memory_space<any>>
      %dma_wait3A_394 = tpu.memref_squeeze %dma_wait3A_393 : memref<1x1x128xf32, #tpu.memory_space<any>> -> memref<128xf32, #tpu.memory_space<any>>
      tpu.wait_dma2 semaphore(%arg8 : memref<!tpu.dma_semaphore, #tpu.memory_space<semaphore_mem>>) src(%dma_wait3A_394 : memref<128xf32, #tpu.memory_space<any>>) dst(%dma_wait3A_391 : memref<128xf32, #tpu.memory_space<vmem>>)
      %dma_wait3A_395 = arith.constant 11 : i32
      %dma_wait3A_396 = arith.constant 0 : i32
      %dma_wait3A_397 = tpu.memref_slice %arg7[%dma_wait3A_395, %dma_wait3A_396] : memref<32x128xf32, #tpu.memory_space<vmem>> -> memref<1x128xf32, #tpu.memory_space<vmem>>
      %dma_wait3A_398 = tpu.memref_squeeze %dma_wait3A_397 : memref<1x128xf32, #tpu.memory_space<vmem>> -> memref<128xf32, #tpu.memory_space<vmem>>
      %dma_wait3A_399 = arith.constant 0 : i32
      %dma_wait3A_400 = tpu.memref_slice %arg3[%arg0, %get3A_55, %dma_wait3A_399] : memref<2x50000x128xf32, #tpu.memory_space<any>> -> memref<1x1x128xf32, #tpu.memory_space<any>>
      %dma_wait3A_401 = tpu.memref_squeeze %dma_wait3A_400 : memref<1x1x128xf32, #tpu.memory_space<any>> -> memref<128xf32, #tpu.memory_space<any>>
      tpu.wait_dma2 semaphore(%arg8 : memref<!tpu.dma_semaphore, #tpu.memory_space<semaphore_mem>>) src(%dma_wait3A_401 : memref<128xf32, #tpu.memory_space<any>>) dst(%dma_wait3A_398 : memref<128xf32, #tpu.memory_space<vmem>>)
      %dma_wait3A_402 = arith.constant 12 : i32
      %dma_wait3A_403 = arith.constant 0 : i32
      %dma_wait3A_404 = tpu.memref_slice %arg7[%dma_wait3A_402, %dma_wait3A_403] : memref<32x128xf32, #tpu.memory_space<vmem>> -> memref<1x128xf32, #tpu.memory_space<vmem>>
      %dma_wait3A_405 = tpu.memref_squeeze %dma_wait3A_404 : memref<1x128xf32, #tpu.memory_space<vmem>> -> memref<128xf32, #tpu.memory_space<vmem>>
      %dma_wait3A_406 = arith.constant 0 : i32
      %dma_wait3A_407 = tpu.memref_slice %arg3[%arg0, %get3A_57, %dma_wait3A_406] : memref<2x50000x128xf32, #tpu.memory_space<any>> -> memref<1x1x128xf32, #tpu.memory_space<any>>
      %dma_wait3A_408 = tpu.memref_squeeze %dma_wait3A_407 : memref<1x1x128xf32, #tpu.memory_space<any>> -> memref<128xf32, #tpu.memory_space<any>>
      tpu.wait_dma2 semaphore(%arg8 : memref<!tpu.dma_semaphore, #tpu.memory_space<semaphore_mem>>) src(%dma_wait3A_408 : memref<128xf32, #tpu.memory_space<any>>) dst(%dma_wait3A_405 : memref<128xf32, #tpu.memory_space<vmem>>)
      %dma_wait3A_409 = arith.constant 13 : i32
      %dma_wait3A_410 = arith.constant 0 : i32
      %dma_wait3A_411 = tpu.memref_slice %arg7[%dma_wait3A_409, %dma_wait3A_410] : memref<32x128xf32, #tpu.memory_space<vmem>> -> memref<1x128xf32, #tpu.memory_space<vmem>>
      %dma_wait3A_412 = tpu.memref_squeeze %dma_wait3A_411 : memref<1x128xf32, #tpu.memory_space<vmem>> -> memref<128xf32, #tpu.memory_space<vmem>>
      %dma_wait3A_413 = arith.constant 0 : i32
      %dma_wait3A_414 = tpu.memref_slice %arg3[%arg0, %get3A_59, %dma_wait3A_413] : memref<2x50000x128xf32, #tpu.memory_space<any>> -> memref<1x1x128xf32, #tpu.memory_space<any>>
      %dma_wait3A_415 = tpu.memref_squeeze %dma_wait3A_414 : memref<1x1x128xf32, #tpu.memory_space<any>> -> memref<128xf32, #tpu.memory_space<any>>
      tpu.wait_dma2 semaphore(%arg8 : memref<!tpu.dma_semaphore, #tpu.memory_space<semaphore_mem>>) src(%dma_wait3A_415 : memref<128xf32, #tpu.memory_space<any>>) dst(%dma_wait3A_412 : memref<128xf32, #tpu.memory_space<vmem>>)
      %dma_wait3A_416 = arith.constant 14 : i32
      %dma_wait3A_417 = arith.constant 0 : i32
      %dma_wait3A_418 = tpu.memref_slice %arg7[%dma_wait3A_416, %dma_wait3A_417] : memref<32x128xf32, #tpu.memory_space<vmem>> -> memref<1x128xf32, #tpu.memory_space<vmem>>
      %dma_wait3A_419 = tpu.memref_squeeze %dma_wait3A_418 : memref<1x128xf32, #tpu.memory_space<vmem>> -> memref<128xf32, #tpu.memory_space<vmem>>
      %dma_wait3A_420 = arith.constant 0 : i32
      %dma_wait3A_421 = tpu.memref_slice %arg3[%arg0, %get3A_61, %dma_wait3A_420] : memref<2x50000x128xf32, #tpu.memory_space<any>> -> memref<1x1x128xf32, #tpu.memory_space<any>>
      %dma_wait3A_422 = tpu.memref_squeeze %dma_wait3A_421 : memref<1x1x128xf32, #tpu.memory_space<any>> -> memref<128xf32, #tpu.memory_space<any>>
      tpu.wait_dma2 semaphore(%arg8 : memref<!tpu.dma_semaphore, #tpu.memory_space<semaphore_mem>>) src(%dma_wait3A_422 : memref<128xf32, #tpu.memory_space<any>>) dst(%dma_wait3A_419 : memref<128xf32, #tpu.memory_space<vmem>>)
      %dma_wait3A_423 = arith.constant 15 : i32
      %dma_wait3A_424 = arith.constant 0 : i32
      %dma_wait3A_425 = tpu.memref_slice %arg7[%dma_wait3A_423, %dma_wait3A_424] : memref<32x128xf32, #tpu.memory_space<vmem>> -> memref<1x128xf32, #tpu.memory_space<vmem>>
      %dma_wait3A_426 = tpu.memref_squeeze %dma_wait3A_425 : memref<1x128xf32, #tpu.memory_space<vmem>> -> memref<128xf32, #tpu.memory_space<vmem>>
      %dma_wait3A_427 = arith.constant 0 : i32
      %dma_wait3A_428 = tpu.memref_slice %arg3[%arg0, %get3A_63, %dma_wait3A_427] : memref<2x50000x128xf32, #tpu.memory_space<any>> -> memref<1x1x128xf32, #tpu.memory_space<any>>
      %dma_wait3A_429 = tpu.memref_squeeze %dma_wait3A_428 : memref<1x1x128xf32, #tpu.memory_space<any>> -> memref<128xf32, #tpu.memory_space<any>>
      tpu.wait_dma2 semaphore(%arg8 : memref<!tpu.dma_semaphore, #tpu.memory_space<semaphore_mem>>) src(%dma_wait3A_429 : memref<128xf32, #tpu.memory_space<any>>) dst(%dma_wait3A_426 : memref<128xf32, #tpu.memory_space<vmem>>)
      %dma_wait3A_430 = arith.constant 16 : i32
      %dma_wait3A_431 = arith.constant 0 : i32
      %dma_wait3A_432 = tpu.memref_slice %arg7[%dma_wait3A_430, %dma_wait3A_431] : memref<32x128xf32, #tpu.memory_space<vmem>> -> memref<1x128xf32, #tpu.memory_space<vmem>>
      %dma_wait3A_433 = tpu.memref_squeeze %dma_wait3A_432 : memref<1x128xf32, #tpu.memory_space<vmem>> -> memref<128xf32, #tpu.memory_space<vmem>>
      %dma_wait3A_434 = arith.constant 0 : i32
      %dma_wait3A_435 = tpu.memref_slice %arg3[%arg0, %get3A_65, %dma_wait3A_434] : memref<2x50000x128xf32, #tpu.memory_space<any>> -> memref<1x1x128xf32, #tpu.memory_space<any>>
      %dma_wait3A_436 = tpu.memref_squeeze %dma_wait3A_435 : memref<1x1x128xf32, #tpu.memory_space<any>> -> memref<128xf32, #tpu.memory_space<any>>
      tpu.wait_dma2 semaphore(%arg8 : memref<!tpu.dma_semaphore, #tpu.memory_space<semaphore_mem>>) src(%dma_wait3A_436 : memref<128xf32, #tpu.memory_space<any>>) dst(%dma_wait3A_433 : memref<128xf32, #tpu.memory_space<vmem>>)
      %dma_wait3A_437 = arith.constant 17 : i32
      %dma_wait3A_438 = arith.constant 0 : i32
      %dma_wait3A_439 = tpu.memref_slice %arg7[%dma_wait3A_437, %dma_wait3A_438] : memref<32x128xf32, #tpu.memory_space<vmem>> -> memref<1x128xf32, #tpu.memory_space<vmem>>
      %dma_wait3A_440 = tpu.memref_squeeze %dma_wait3A_439 : memref<1x128xf32, #tpu.memory_space<vmem>> -> memref<128xf32, #tpu.memory_space<vmem>>
      %dma_wait3A_441 = arith.constant 0 : i32
      %dma_wait3A_442 = tpu.memref_slice %arg3[%arg0, %get3A_67, %dma_wait3A_441] : memref<2x50000x128xf32, #tpu.memory_space<any>> -> memref<1x1x128xf32, #tpu.memory_space<any>>
      %dma_wait3A_443 = tpu.memref_squeeze %dma_wait3A_442 : memref<1x1x128xf32, #tpu.memory_space<any>> -> memref<128xf32, #tpu.memory_space<any>>
      tpu.wait_dma2 semaphore(%arg8 : memref<!tpu.dma_semaphore, #tpu.memory_space<semaphore_mem>>) src(%dma_wait3A_443 : memref<128xf32, #tpu.memory_space<any>>) dst(%dma_wait3A_440 : memref<128xf32, #tpu.memory_space<vmem>>)
      %dma_wait3A_444 = arith.constant 18 : i32
      %dma_wait3A_445 = arith.constant 0 : i32
      %dma_wait3A_446 = tpu.memref_slice %arg7[%dma_wait3A_444, %dma_wait3A_445] : memref<32x128xf32, #tpu.memory_space<vmem>> -> memref<1x128xf32, #tpu.memory_space<vmem>>
      %dma_wait3A_447 = tpu.memref_squeeze %dma_wait3A_446 : memref<1x128xf32, #tpu.memory_space<vmem>> -> memref<128xf32, #tpu.memory_space<vmem>>
      %dma_wait3A_448 = arith.constant 0 : i32
      %dma_wait3A_449 = tpu.memref_slice %arg3[%arg0, %get3A_69, %dma_wait3A_448] : memref<2x50000x128xf32, #tpu.memory_space<any>> -> memref<1x1x128xf32, #tpu.memory_space<any>>
      %dma_wait3A_450 = tpu.memref_squeeze %dma_wait3A_449 : memref<1x1x128xf32, #tpu.memory_space<any>> -> memref<128xf32, #tpu.memory_space<any>>
      tpu.wait_dma2 semaphore(%arg8 : memref<!tpu.dma_semaphore, #tpu.memory_space<semaphore_mem>>) src(%dma_wait3A_450 : memref<128xf32, #tpu.memory_space<any>>) dst(%dma_wait3A_447 : memref<128xf32, #tpu.memory_space<vmem>>)
      %dma_wait3A_451 = arith.constant 19 : i32
      %dma_wait3A_452 = arith.constant 0 : i32
      %dma_wait3A_453 = tpu.memref_slice %arg7[%dma_wait3A_451, %dma_wait3A_452] : memref<32x128xf32, #tpu.memory_space<vmem>> -> memref<1x128xf32, #tpu.memory_space<vmem>>
      %dma_wait3A_454 = tpu.memref_squeeze %dma_wait3A_453 : memref<1x128xf32, #tpu.memory_space<vmem>> -> memref<128xf32, #tpu.memory_space<vmem>>
      %dma_wait3A_455 = arith.constant 0 : i32
      %dma_wait3A_456 = tpu.memref_slice %arg3[%arg0, %get3A_71, %dma_wait3A_455] : memref<2x50000x128xf32, #tpu.memory_space<any>> -> memref<1x1x128xf32, #tpu.memory_space<any>>
      %dma_wait3A_457 = tpu.memref_squeeze %dma_wait3A_456 : memref<1x1x128xf32, #tpu.memory_space<any>> -> memref<128xf32, #tpu.memory_space<any>>
      tpu.wait_dma2 semaphore(%arg8 : memref<!tpu.dma_semaphore, #tpu.memory_space<semaphore_mem>>) src(%dma_wait3A_457 : memref<128xf32, #tpu.memory_space<any>>) dst(%dma_wait3A_454 : memref<128xf32, #tpu.memory_space<vmem>>)
      %dma_wait3A_458 = arith.constant 20 : i32
      %dma_wait3A_459 = arith.constant 0 : i32
      %dma_wait3A_460 = tpu.memref_slice %arg7[%dma_wait3A_458, %dma_wait3A_459] : memref<32x128xf32, #tpu.memory_space<vmem>> -> memref<1x128xf32, #tpu.memory_space<vmem>>
      %dma_wait3A_461 = tpu.memref_squeeze %dma_wait3A_460 : memref<1x128xf32, #tpu.memory_space<vmem>> -> memref<128xf32, #tpu.memory_space<vmem>>
      %dma_wait3A_462 = arith.constant 0 : i32
      %dma_wait3A_463 = tpu.memref_slice %arg3[%arg0, %get3A_73, %dma_wait3A_462] : memref<2x50000x128xf32, #tpu.memory_space<any>> -> memref<1x1x128xf32, #tpu.memory_space<any>>
      %dma_wait3A_464 = tpu.memref_squeeze %dma_wait3A_463 : memref<1x1x128xf32, #tpu.memory_space<any>> -> memref<128xf32, #tpu.memory_space<any>>
      tpu.wait_dma2 semaphore(%arg8 : memref<!tpu.dma_semaphore, #tpu.memory_space<semaphore_mem>>) src(%dma_wait3A_464 : memref<128xf32, #tpu.memory_space<any>>) dst(%dma_wait3A_461 : memref<128xf32, #tpu.memory_space<vmem>>)
      %dma_wait3A_465 = arith.constant 21 : i32
      %dma_wait3A_466 = arith.constant 0 : i32
      %dma_wait3A_467 = tpu.memref_slice %arg7[%dma_wait3A_465, %dma_wait3A_466] : memref<32x128xf32, #tpu.memory_space<vmem>> -> memref<1x128xf32, #tpu.memory_space<vmem>>
      %dma_wait3A_468 = tpu.memref_squeeze %dma_wait3A_467 : memref<1x128xf32, #tpu.memory_space<vmem>> -> memref<128xf32, #tpu.memory_space<vmem>>
      %dma_wait3A_469 = arith.constant 0 : i32
      %dma_wait3A_470 = tpu.memref_slice %arg3[%arg0, %get3A_75, %dma_wait3A_469] : memref<2x50000x128xf32, #tpu.memory_space<any>> -> memref<1x1x128xf32, #tpu.memory_space<any>>
      %dma_wait3A_471 = tpu.memref_squeeze %dma_wait3A_470 : memref<1x1x128xf32, #tpu.memory_space<any>> -> memref<128xf32, #tpu.memory_space<any>>
      tpu.wait_dma2 semaphore(%arg8 : memref<!tpu.dma_semaphore, #tpu.memory_space<semaphore_mem>>) src(%dma_wait3A_471 : memref<128xf32, #tpu.memory_space<any>>) dst(%dma_wait3A_468 : memref<128xf32, #tpu.memory_space<vmem>>)
      %dma_wait3A_472 = arith.constant 22 : i32
      %dma_wait3A_473 = arith.constant 0 : i32
      %dma_wait3A_474 = tpu.memref_slice %arg7[%dma_wait3A_472, %dma_wait3A_473] : memref<32x128xf32, #tpu.memory_space<vmem>> -> memref<1x128xf32, #tpu.memory_space<vmem>>
      %dma_wait3A_475 = tpu.memref_squeeze %dma_wait3A_474 : memref<1x128xf32, #tpu.memory_space<vmem>> -> memref<128xf32, #tpu.memory_space<vmem>>
      %dma_wait3A_476 = arith.constant 0 : i32
      %dma_wait3A_477 = tpu.memref_slice %arg3[%arg0, %get3A_77, %dma_wait3A_476] : memref<2x50000x128xf32, #tpu.memory_space<any>> -> memref<1x1x128xf32, #tpu.memory_space<any>>
      %dma_wait3A_478 = tpu.memref_squeeze %dma_wait3A_477 : memref<1x1x128xf32, #tpu.memory_space<any>> -> memref<128xf32, #tpu.memory_space<any>>
      tpu.wait_dma2 semaphore(%arg8 : memref<!tpu.dma_semaphore, #tpu.memory_space<semaphore_mem>>) src(%dma_wait3A_478 : memref<128xf32, #tpu.memory_space<any>>) dst(%dma_wait3A_475 : memref<128xf32, #tpu.memory_space<vmem>>)
      %dma_wait3A_479 = arith.constant 23 : i32
      %dma_wait3A_480 = arith.constant 0 : i32
      %dma_wait3A_481 = tpu.memref_slice %arg7[%dma_wait3A_479, %dma_wait3A_480] : memref<32x128xf32, #tpu.memory_space<vmem>> -> memref<1x128xf32, #tpu.memory_space<vmem>>
      %dma_wait3A_482 = tpu.memref_squeeze %dma_wait3A_481 : memref<1x128xf32, #tpu.memory_space<vmem>> -> memref<128xf32, #tpu.memory_space<vmem>>
      %dma_wait3A_483 = arith.constant 0 : i32
      %dma_wait3A_484 = tpu.memref_slice %arg3[%arg0, %get3A_79, %dma_wait3A_483] : memref<2x50000x128xf32, #tpu.memory_space<any>> -> memref<1x1x128xf32, #tpu.memory_space<any>>
      %dma_wait3A_485 = tpu.memref_squeeze %dma_wait3A_484 : memref<1x1x128xf32, #tpu.memory_space<any>> -> memref<128xf32, #tpu.memory_space<any>>
      tpu.wait_dma2 semaphore(%arg8 : memref<!tpu.dma_semaphore, #tpu.memory_space<semaphore_mem>>) src(%dma_wait3A_485 : memref<128xf32, #tpu.memory_space<any>>) dst(%dma_wait3A_482 : memref<128xf32, #tpu.memory_space<vmem>>)
      %dma_wait3A_486 = arith.constant 24 : i32
      %dma_wait3A_487 = arith.constant 0 : i32
      %dma_wait3A_488 = tpu.memref_slice %arg7[%dma_wait3A_486, %dma_wait3A_487] : memref<32x128xf32, #tpu.memory_space<vmem>> -> memref<1x128xf32, #tpu.memory_space<vmem>>
      %dma_wait3A_489 = tpu.memref_squeeze %dma_wait3A_488 : memref<1x128xf32, #tpu.memory_space<vmem>> -> memref<128xf32, #tpu.memory_space<vmem>>
      %dma_wait3A_490 = arith.constant 0 : i32
      %dma_wait3A_491 = tpu.memref_slice %arg3[%arg0, %get3A_81, %dma_wait3A_490] : memref<2x50000x128xf32, #tpu.memory_space<any>> -> memref<1x1x128xf32, #tpu.memory_space<any>>
      %dma_wait3A_492 = tpu.memref_squeeze %dma_wait3A_491 : memref<1x1x128xf32, #tpu.memory_space<any>> -> memref<128xf32, #tpu.memory_space<any>>
      tpu.wait_dma2 semaphore(%arg8 : memref<!tpu.dma_semaphore, #tpu.memory_space<semaphore_mem>>) src(%dma_wait3A_492 : memref<128xf32, #tpu.memory_space<any>>) dst(%dma_wait3A_489 : memref<128xf32, #tpu.memory_space<vmem>>)
      %dma_wait3A_493 = arith.constant 25 : i32
      %dma_wait3A_494 = arith.constant 0 : i32
      %dma_wait3A_495 = tpu.memref_slice %arg7[%dma_wait3A_493, %dma_wait3A_494] : memref<32x128xf32, #tpu.memory_space<vmem>> -> memref<1x128xf32, #tpu.memory_space<vmem>>
      %dma_wait3A_496 = tpu.memref_squeeze %dma_wait3A_495 : memref<1x128xf32, #tpu.memory_space<vmem>> -> memref<128xf32, #tpu.memory_space<vmem>>
      %dma_wait3A_497 = arith.constant 0 : i32
      %dma_wait3A_498 = tpu.memref_slice %arg3[%arg0, %get3A_83, %dma_wait3A_497] : memref<2x50000x128xf32, #tpu.memory_space<any>> -> memref<1x1x128xf32, #tpu.memory_space<any>>
      %dma_wait3A_499 = tpu.memref_squeeze %dma_wait3A_498 : memref<1x1x128xf32, #tpu.memory_space<any>> -> memref<128xf32, #tpu.memory_space<any>>
      tpu.wait_dma2 semaphore(%arg8 : memref<!tpu.dma_semaphore, #tpu.memory_space<semaphore_mem>>) src(%dma_wait3A_499 : memref<128xf32, #tpu.memory_space<any>>) dst(%dma_wait3A_496 : memref<128xf32, #tpu.memory_space<vmem>>)
      %dma_wait3A_500 = arith.constant 26 : i32
      %dma_wait3A_501 = arith.constant 0 : i32
      %dma_wait3A_502 = tpu.memref_slice %arg7[%dma_wait3A_500, %dma_wait3A_501] : memref<32x128xf32, #tpu.memory_space<vmem>> -> memref<1x128xf32, #tpu.memory_space<vmem>>
      %dma_wait3A_503 = tpu.memref_squeeze %dma_wait3A_502 : memref<1x128xf32, #tpu.memory_space<vmem>> -> memref<128xf32, #tpu.memory_space<vmem>>
      %dma_wait3A_504 = arith.constant 0 : i32
      %dma_wait3A_505 = tpu.memref_slice %arg3[%arg0, %get3A_85, %dma_wait3A_504] : memref<2x50000x128xf32, #tpu.memory_space<any>> -> memref<1x1x128xf32, #tpu.memory_space<any>>
      %dma_wait3A_506 = tpu.memref_squeeze %dma_wait3A_505 : memref<1x1x128xf32, #tpu.memory_space<any>> -> memref<128xf32, #tpu.memory_space<any>>
      tpu.wait_dma2 semaphore(%arg8 : memref<!tpu.dma_semaphore, #tpu.memory_space<semaphore_mem>>) src(%dma_wait3A_506 : memref<128xf32, #tpu.memory_space<any>>) dst(%dma_wait3A_503 : memref<128xf32, #tpu.memory_space<vmem>>)
      %dma_wait3A_507 = arith.constant 27 : i32
      %dma_wait3A_508 = arith.constant 0 : i32
      %dma_wait3A_509 = tpu.memref_slice %arg7[%dma_wait3A_507, %dma_wait3A_508] : memref<32x128xf32, #tpu.memory_space<vmem>> -> memref<1x128xf32, #tpu.memory_space<vmem>>
      %dma_wait3A_510 = tpu.memref_squeeze %dma_wait3A_509 : memref<1x128xf32, #tpu.memory_space<vmem>> -> memref<128xf32, #tpu.memory_space<vmem>>
      %dma_wait3A_511 = arith.constant 0 : i32
      %dma_wait3A_512 = tpu.memref_slice %arg3[%arg0, %get3A_87, %dma_wait3A_511] : memref<2x50000x128xf32, #tpu.memory_space<any>> -> memref<1x1x128xf32, #tpu.memory_space<any>>
      %dma_wait3A_513 = tpu.memref_squeeze %dma_wait3A_512 : memref<1x1x128xf32, #tpu.memory_space<any>> -> memref<128xf32, #tpu.memory_space<any>>
      tpu.wait_dma2 semaphore(%arg8 : memref<!tpu.dma_semaphore, #tpu.memory_space<semaphore_mem>>) src(%dma_wait3A_513 : memref<128xf32, #tpu.memory_space<any>>) dst(%dma_wait3A_510 : memref<128xf32, #tpu.memory_space<vmem>>)
      %dma_wait3A_514 = arith.constant 28 : i32
      %dma_wait3A_515 = arith.constant 0 : i32
      %dma_wait3A_516 = tpu.memref_slice %arg7[%dma_wait3A_514, %dma_wait3A_515] : memref<32x128xf32, #tpu.memory_space<vmem>> -> memref<1x128xf32, #tpu.memory_space<vmem>>
      %dma_wait3A_517 = tpu.memref_squeeze %dma_wait3A_516 : memref<1x128xf32, #tpu.memory_space<vmem>> -> memref<128xf32, #tpu.memory_space<vmem>>
      %dma_wait3A_518 = arith.constant 0 : i32
      %dma_wait3A_519 = tpu.memref_slice %arg3[%arg0, %get3A_89, %dma_wait3A_518] : memref<2x50000x128xf32, #tpu.memory_space<any>> -> memref<1x1x128xf32, #tpu.memory_space<any>>
      %dma_wait3A_520 = tpu.memref_squeeze %dma_wait3A_519 : memref<1x1x128xf32, #tpu.memory_space<any>> -> memref<128xf32, #tpu.memory_space<any>>
      tpu.wait_dma2 semaphore(%arg8 : memref<!tpu.dma_semaphore, #tpu.memory_space<semaphore_mem>>) src(%dma_wait3A_520 : memref<128xf32, #tpu.memory_space<any>>) dst(%dma_wait3A_517 : memref<128xf32, #tpu.memory_space<vmem>>)
      %dma_wait3A_521 = arith.constant 29 : i32
      %dma_wait3A_522 = arith.constant 0 : i32
      %dma_wait3A_523 = tpu.memref_slice %arg7[%dma_wait3A_521, %dma_wait3A_522] : memref<32x128xf32, #tpu.memory_space<vmem>> -> memref<1x128xf32, #tpu.memory_space<vmem>>
      %dma_wait3A_524 = tpu.memref_squeeze %dma_wait3A_523 : memref<1x128xf32, #tpu.memory_space<vmem>> -> memref<128xf32, #tpu.memory_space<vmem>>
      %dma_wait3A_525 = arith.constant 0 : i32
      %dma_wait3A_526 = tpu.memref_slice %arg3[%arg0, %get3A_91, %dma_wait3A_525] : memref<2x50000x128xf32, #tpu.memory_space<any>> -> memref<1x1x128xf32, #tpu.memory_space<any>>
      %dma_wait3A_527 = tpu.memref_squeeze %dma_wait3A_526 : memref<1x1x128xf32, #tpu.memory_space<any>> -> memref<128xf32, #tpu.memory_space<any>>
      tpu.wait_dma2 semaphore(%arg8 : memref<!tpu.dma_semaphore, #tpu.memory_space<semaphore_mem>>) src(%dma_wait3A_527 : memref<128xf32, #tpu.memory_space<any>>) dst(%dma_wait3A_524 : memref<128xf32, #tpu.memory_space<vmem>>)
      %dma_wait3A_528 = arith.constant 30 : i32
      %dma_wait3A_529 = arith.constant 0 : i32
      %dma_wait3A_530 = tpu.memref_slice %arg7[%dma_wait3A_528, %dma_wait3A_529] : memref<32x128xf32, #tpu.memory_space<vmem>> -> memref<1x128xf32, #tpu.memory_space<vmem>>
      %dma_wait3A_531 = tpu.memref_squeeze %dma_wait3A_530 : memref<1x128xf32, #tpu.memory_space<vmem>> -> memref<128xf32, #tpu.memory_space<vmem>>
      %dma_wait3A_532 = arith.constant 0 : i32
      %dma_wait3A_533 = tpu.memref_slice %arg3[%arg0, %get3A_93, %dma_wait3A_532] : memref<2x50000x128xf32, #tpu.memory_space<any>> -> memref<1x1x128xf32, #tpu.memory_space<any>>
      %dma_wait3A_534 = tpu.memref_squeeze %dma_wait3A_533 : memref<1x1x128xf32, #tpu.memory_space<any>> -> memref<128xf32, #tpu.memory_space<any>>
      tpu.wait_dma2 semaphore(%arg8 : memref<!tpu.dma_semaphore, #tpu.memory_space<semaphore_mem>>) src(%dma_wait3A_534 : memref<128xf32, #tpu.memory_space<any>>) dst(%dma_wait3A_531 : memref<128xf32, #tpu.memory_space<vmem>>)
      %dma_wait3A_535 = arith.constant 31 : i32
      %dma_wait3A_536 = arith.constant 0 : i32
      %dma_wait3A_537 = tpu.memref_slice %arg7[%dma_wait3A_535, %dma_wait3A_536] : memref<32x128xf32, #tpu.memory_space<vmem>> -> memref<1x128xf32, #tpu.memory_space<vmem>>
      %dma_wait3A_538 = tpu.memref_squeeze %dma_wait3A_537 : memref<1x128xf32, #tpu.memory_space<vmem>> -> memref<128xf32, #tpu.memory_space<vmem>>
      %dma_wait3A_539 = arith.constant 0 : i32
      %dma_wait3A_540 = tpu.memref_slice %arg3[%arg0, %get3A_95, %dma_wait3A_539] : memref<2x50000x128xf32, #tpu.memory_space<any>> -> memref<1x1x128xf32, #tpu.memory_space<any>>
      %dma_wait3A_541 = tpu.memref_squeeze %dma_wait3A_540 : memref<1x1x128xf32, #tpu.memory_space<any>> -> memref<128xf32, #tpu.memory_space<any>>
      tpu.wait_dma2 semaphore(%arg8 : memref<!tpu.dma_semaphore, #tpu.memory_space<semaphore_mem>>) src(%dma_wait3A_541 : memref<128xf32, #tpu.memory_space<any>>) dst(%dma_wait3A_538 : memref<128xf32, #tpu.memory_space<vmem>>)
    } else {
    }
    %get3A = arith.constant 0 : index
    %get3A_2 = arith.constant 0 : index
    %get3A_3 = arith.constant 0 : index
    %get3A_4 = vector.load %arg4[%get3A, %get3A_2, %get3A_3] : memref<1x6272x128xf32, #tpu.memory_space<vmem>>, vector<1x6272x128xf32>
    %get3A_5 = vector.shape_cast %get3A_4 : vector<1x6272x128xf32> to vector<6272x128xf32>
    %get3A_6 = arith.constant 0 : index
    %get3A_7 = arith.constant 0 : index
    %get3A_8 = vector.load %arg7[%get3A_6, %get3A_7] : memref<32x128xf32, #tpu.memory_space<vmem>>, vector<32x128xf32>
    %dot_general3A = arith.constant dense<0.000000e+00> : vector<32x6272xf32>
    %dot_general3A_9 = tpu.matmul %get3A_8, %get3A_5, %dot_general3A {dimension_numbers = #tpu.dot_dimension_numbers<[1], [1], [0], [0], [0, 0, 1, 0], [], []>, transpose_lhs_hint = false} : vector<32x128xf32>, vector<6272x128xf32>, vector<32x6272xf32> -> vector<32x6272xf32>
    %convert_element_type3A_10 = arith.truncf %dot_general3A_9 : vector<32x6272xf32> to vector<32x6272xbf16>
    %bitcast_convert_type3A = tpu.bitcast %convert_element_type3A_10 : vector<32x6272xbf16> -> vector<32x6272xi16>
    %convert_element_type3A_11 = arith.extui %bitcast_convert_type3A : vector<32x6272xi16> to vector<32x6272xi32>
    %get3A_12 = arith.constant 0 : index
    %get3A_13 = arith.constant 0 : index
    %get3A_14 = arith.constant 0 : index
    %get3A_15 = vector.load %arg5[%get3A_12, %get3A_13, %get3A_14] : memref<1x6272x128xf32, #tpu.memory_space<vmem>>, vector<1x6272x128xf32>
    %get3A_16 = vector.shape_cast %get3A_15 : vector<1x6272x128xf32> to vector<6272x128xf32>
    %get3A_17 = arith.constant 0 : index
    %get3A_18 = arith.constant 0 : index
    %get3A_19 = vector.load %arg7[%get3A_17, %get3A_18] : memref<32x128xf32, #tpu.memory_space<vmem>>, vector<32x128xf32>
    %dot_general3A_20 = arith.constant dense<0.000000e+00> : vector<32x6272xf32>
    %dot_general3A_21 = tpu.matmul %get3A_19, %get3A_16, %dot_general3A_20 {dimension_numbers = #tpu.dot_dimension_numbers<[1], [1], [0], [0], [0, 0, 1, 0], [], []>, transpose_lhs_hint = false} : vector<32x128xf32>, vector<6272x128xf32>, vector<32x6272xf32> -> vector<32x6272xf32>
    %convert_element_type3A_22 = arith.truncf %dot_general3A_21 : vector<32x6272xf32> to vector<32x6272xbf16>
    %bitcast_convert_type3A_23 = tpu.bitcast %convert_element_type3A_22 : vector<32x6272xbf16> -> vector<32x6272xi16>
    %convert_element_type3A_24 = arith.extui %bitcast_convert_type3A_23 : vector<32x6272xi16> to vector<32x6272xi32>
    %shift_left3A = arith.constant 16 : i32
    %shift_left3A_25 = vector.broadcast %shift_left3A : i32 to vector<32x6272xi32>
    %shift_left3A_26 = arith.shli %convert_element_type3A_24, %shift_left3A_25 : vector<32x6272xi32>
    %or3A = arith.ori %convert_element_type3A_11, %shift_left3A_26 : vector<32x6272xi32>
    %swap3A = arith.constant 0 : index
    %swap3A_27 = arith.constant 0 : index
    %swap3A_28 = arith.constant 0 : index
    %swap3A_29 = vector.load %arg6[%swap3A, %swap3A_27, %swap3A_28] : memref<1x32x6272xi32, #tpu.memory_space<vmem>>, vector<1x32x6272xi32>
    %swap3A_30 = vector.shape_cast %swap3A_29 : vector<1x32x6272xi32> to vector<32x6272xi32>
    %swap3A_31 = vector.shape_cast %or3A : vector<32x6272xi32> to vector<1x32x6272xi32>
    tpu.vector_store %arg6[%swap3A, %swap3A_27, %swap3A_28], %swap3A_31 {strides = array<i32>} : memref<1x32x6272xi32, #tpu.memory_space<vmem>>, vector<1x32x6272xi32>,
    return
  }
  func.func @transform_1(%arg0: i32, %arg1: i32, %arg2: memref<32xi32, #tpu.memory_space<smem>>) -> (i32, i32, i32) {
    %c0_i32 = arith.constant 0 : i32
    %c0_i32_0 = arith.constant 0 : i32
    return %arg0, %arg1, %c0_i32 : i32, i32, i32
  }
  func.func @transform_2(%arg0: i32, %arg1: i32, %arg2: memref<32xi32, #tpu.memory_space<smem>>) -> (i32, i32, i32) {
    %add3A = arith.constant 4 : i32
    %add3A_0 = arith.addi %arg1, %add3A : i32
    %c0_i32 = arith.constant 0 : i32
    %c0_i32_1 = arith.constant 0 : i32
    return %arg0, %add3A_0, %c0_i32 : i32, i32, i32
  }
  func.func @transform_3(%arg0: i32, %arg1: i32, %arg2: memref<32xi32, #tpu.memory_space<smem>>) -> (i32, i32, i32) {
    %c0_i32 = arith.constant 0 : i32
    %c0_i32_0 = arith.constant 0 : i32
    return %arg0, %c0_i32, %arg1 : i32, i32, i32
  }
}

</mosaic_0001>

<sc_bundles>
// kernel: kernel.4.cloned.1.call-start
scs
__scs_entry_jumppad:
0x0: {  	(pc) =	sbr.rel $0x88, $3  }
0x1: {  	(tag) =	ssettag $0x0;
	lr =	simm.s32 $0x1  }
0x2: {  	[smem:$0x3F9D] =	sst lr;
	_ =	strace $0xD0000000  }
0x3: {  	_ = 	snop  }
0x4: {  	_ = 	snop  }
0x5: {  	_ = 	snop  }
0x6: {  	_ = 	snop  }
0x7: {  	_ = 	snop  }
__scs_overlays_trampoline_lowered:
0x8: {  	[smem:$0x3FAC] =	sst s0  }
0x9: {  	[smem:$0x3FAD] =	sst s1  }
0xa: {  	[smem:$0x3FAE] =	sst s2  }
0xb: {  	[smem:$0x3FAF] =	sst s3  }
0xc: {  	[smem:$0x3FB0] =	sst s4  }
0xd: {  	[smem:$0x3FB1] =	sst s5  }
0xe: {  	[smem:$0x3FB2] =	sst s6  }
0xf: {  	[smem:$0x3FB3] =	sst s7  }
0x10: {  	[smem:$0x3FB4] =	sst s8  }
0x11: {  	[smem:$0x3FB5] =	sst s9;
	s0 =	simm.s32 @!p0 $0x0  }
0x12: {  	s1 =	sld [smem:$0x3F9B];
	s0 =	simm.s32 @p0 $0x1  }
0x13: {  	[smem:$0x3FB6] =	sst s0;
	s0 =	simm.s32 @!p1 $0x0  }
0x14: {  	s2 =	sld [smem:$0x3F9A];
	s0 =	simm.s32 @p1 $0x1  }
0x15: {  	[smem:$0x3FB7] =	sst s0;
	s0 =	simm.s32 @!p2 $0x0  }
0x16: {  	s3 =	sld [smem:$0x3FDB];
	s0 =	simm.s32 @p2 $0x1  }
0x17: {  	s4 =	simm.s32 $0x1BF5;
	[smem:$0x3FB9] =	sst s0  }
0x18: {  	s0 =	sld [smem:$0x3F9C];
	_ =	swait.ge [sflag:s4], $0x0  }
0x19: {  	s7 =	sld [smem:$0x3F9D]  }
0x1a: {  	s8 =	sadd.s32 $0xFFFFE003, lr  }
0x1b: {  	s9 =	sadd.s32 $0xFFFFFEF7, lr;
	s5 =	simm.s32 $0xFFFFFFFF;
	p2 =	slt.u32 s8, $0xFFFFF086  }
0x1c: {  	p1 =	slt.u32 s9, $0xF7A;
	s5 =	simm.s32 @!p2 $0x0  }
0x1d: {  	s5 =	simm.s32 @p1 $0x1;
	p0 =	seq.s32 s7, s2  }
0x1e: {  	s7 =	smul.u32 @!p0 $0xF7A, s2;
	p2 =	seq.s32 @!p0 s5, $0x0  }
0x1f: {  	s9 =	smul.u32 $0xF7A, s1;
	s8 =	simm.s32 @!p0 $0x1BF5;
	p2 =	por !p2, p0  }
0x20: {  	[sflag:s8] =	ssyncset.s32 @!p0 $0xFFFFF086;
	s6 =	sadd.s32 @!p0 s3, s7;
	s7 =	simm.s32 @!p0 $0x108  }
0x21: {  	s3 =	sadd.s32 s3, s9;
	s6 =	sadd.s32 @!p0 $0x88, s6;
	s7 =	simm.s32 @p2 $0x1082  }
0x22: {  	[simem:s7], [sflag:s8] =	dma.local @!p0 [hbm:s6], $0xF7A  }
0x23: {  	s9 =	sor.u32 $0xD0000000, s2;
	s6 =	simm.s32 $0x108;
	_ =	swait.ge @!p0 [sflag:s8], $0x0  }
0x24: {  	s3 =	sadd.s32 $0x88, s3;
	s6 =	simm.s32 @!p1 $0x1082;
	[sflag:s4] =	ssyncset.s32 $0xFFFFF086  }
0x25: {  	[simem:s6], [sflag:s4] =	dma.local [hbm:s3], $0xF7A  }
0x26: {  	[smem:$0x3F9D] =	sst s1;
	(tag) =	ssettag s2;
	_ =	strace s9  }
0x27: {  	s1 =	sld [smem:$0x3FAD]  }
0x28: {  	s2 =	sld [smem:$0x3FAE]  }
0x29: {  	s4 =	sld [smem:$0x3FB0]  }
0x2a: {  	p0 =	seq.s32 s5, $0x0;
	s5 =	sld [smem:$0x3FB1]  }
0x2b: {  	s6 =	sld [smem:$0x3FB2]  }
0x2c: {  	s7 =	sld [smem:$0x3FB3]  }
0x2d: {  	s3 =	simm.s32 $0x108;
	s8 =	sld [smem:$0x3FB4]  }
0x2e: {  	s3 =	simm.s32 @!p0 $0x1082;
	s9 =	sld [smem:$0x3FB5]  }
0x2f: {  	lr =	sadd.s32 s0, s3;
	s0 =	sld [smem:$0x3FAC]  }
0x30: {  	s3 =	sld [smem:$0x3FAF]  }
0x31: {  	[smem:$0x3FB8] =	sst s10  }
0x32: {  	s10 =	sld [smem:$0x3FB6];
	_ =	sdelay $0x3  }
0x33: {  	p0 =	seq.s32 s10, $0x1;
	s10 =	sld [smem:$0x3FB8];
	_ =	sdelay $0x3  }
0x34: {  	[smem:$0x3FB8] =	sst s10  }
0x35: {  	s10 =	sld [smem:$0x3FB7];
	_ =	sdelay $0x3  }
0x36: {  	p1 =	seq.s32 s10, $0x1;
	s10 =	sld [smem:$0x3FB8];
	_ =	sdelay $0x3  }
0x37: {  	[smem:$0x3FB8] =	sst s10  }
0x38: {  	s10 =	sld [smem:$0x3FB9]  }
0x39: {  	_ = 	snop;
	(pc) =	sbr.ind lr, $3  }
0x3a: {  	_ = 	snop  }
0x3b: {  	_ = 	snop  }
0x3c: {  	p2 =	seq.s32 s10, $0x1;
	s10 =	sld [smem:$0x3FB8]  }
0x3d: {  	_ =	shalt  }
0x3e: {  	_ =	shalt  }
0x3f: {  	_ =	shalt  }
0x40: {  	_ =	shalt  }
0x41: {  	_ =	shalt  }
0x42: {  	_ =	shalt  }
0x43: {  	_ =	shalt  }
0x44: {  	_ =	shalt  }
0x45: {  	_ =	shalt  }
0x46: {  	_ =	shalt  }
0x47: {  	_ =	shalt  }
0x48: {  	_ =	shalt  }
0x49: {  	_ =	shalt  }
0x4a: {  	_ =	shalt  }
0x4b: {  	_ =	shalt  }
0x4c: {  	_ =	shalt  }
0x4d: {  	_ =	shalt  }
0x4e: {  	_ =	shalt  }
0x4f: {  	_ =	shalt  }
0x50: {  	_ =	shalt  }
0x51: {  	_ =	shalt  }
0x52: {  	_ =	shalt  }
0x53: {  	_ =	shalt  }
0x54: {  	_ =	shalt  }
0x55: {  	_ =	shalt  }
0x56: {  	_ =	shalt  }
0x57: {  	_ =	shalt  }
0x58: {  	_ =	shalt  }
0x59: {  	_ =	shalt  }
0x5a: {  	_ =	shalt  }
0x5b: {  	_ =	shalt  }
0x5c: {  	_ =	shalt  }
0x5d: {  	_ =	shalt  }
0x5e: {  	_ =	shalt  }
0x5f: {  	_ =	shalt  }
0x60: {  	_ =	shalt  }
0x61: {  	_ =	shalt  }
0x62: {  	_ =	shalt  }
0x63: {  	_ =	shalt  }
0x64: {  	_ =	shalt  }
0x65: {  	_ =	shalt  }
0x66: {  	_ =	shalt  }
0x67: {  	_ =	shalt  }
0x68: {  	_ =	shalt  }
0x69: {  	_ =	shalt  }
0x6a: {  	_ =	shalt  }
0x6b: {  	_ =	shalt  }
0x6c: {  	_ =	shalt  }
0x6d: {  	_ =	shalt  }
0x6e: {  	_ =	shalt  }
0x6f: {  	_ =	shalt  }
0x70: {  	_ =	shalt  }
0x71: {  	_ =	shalt  }
0x72: {  	_ =	shalt  }
0x73: {  	_ =	shalt  }
0x74: {  	_ =	shalt  }
0x75: {  	_ =	shalt  }
0x76: {  	_ =	shalt  }
0x77: {  	_ =	shalt  }
0x78: {  	_ =	shalt  }
0x79: {  	_ =	shalt  }
0x7a: {  	_ =	shalt  }
0x7b: {  	_ =	shalt  }
0x7c: {  	_ =	shalt  }
0x7d: {  	_ =	shalt  }
0x7e: {  	_ =	shalt  }
0x7f: {  	_ =	shalt  }
0x80: {  	_ =	shalt  }
0x81: {  	_ =	shalt  }
0x82: {  	_ =	shalt  }
0x83: {  	_ =	shalt  }
0x84: {  	_ =	shalt  }
0x85: {  	_ =	shalt  }
0x86: {  	_ =	shalt  }
0x87: {  	_ =	shalt  }
.Lfunc_end0:
.L_simem_size_0:
called_computation_lowered:
.L_overlay_start_0:
0x88: {  	s2 =	sld [smem:$0x3FD9]  }
0x89: {  	s3 =	sld [smem:$0x3FFE];
	_ =	sdelay $0x1  }
0x8a: {  	s1 =	srdreg.scid  }
0x8b: {  	s0 =	sand.u32 $0x1, s1  }
0x8c: {  	s16 =	sshll.u32 s0, $0xA;
	s2 =	sadd.s32 s3, s2  }
0x8d: {  	s2 =	sadd.s32 s2, s16  }
0x8e: {  	[smem:$0x3FC4] =	sst s2  }
0x8f: {  	_ = 	snop  }
0x90: {  	(tm) =	ssettm $0x1  }
0x91: {  	s17 =	sld [smem:$0x3FFB];
	_ =	sdelay $0x3  }
0x92: {  	_ =	strace s17  }
0x93: {  	s2 =	sld [smem:$0x3FFC];
	_ =	sdelay $0x3  }
0x94: {  	_ =	strace s2  }
0x95: {  	s2 =	sld [smem:$0x3FFD];
	_ =	sdelay $0x3  }
0x96: {  	_ =	strace s2  }
0x97: {  	_ =	strace $0x8FFFFFFF  }
0x98: {  	s18 =	sld [smem:$0x3FDB];
	_ =	sdelay $0x1  }
0x99: {  	s19 =	simm.s32 $_scs_section_size  }
0x9a: {  	s4 =	simm.s32 $_size__tile_overlayer_lowered;
	s5 =	simm.s32 $_tile_overlayer_lowered  }
0x9b: {  	s22 =	simm.s32 $0x1BFF;
	s21 =	sshll.u32 s5, $0x1;
	s2 =	sadd.s32 s19, s18  }
0x9c: {  	s6 =	simm.s32 $0x0;
	s20 =	sshll.u32 s4, $0x1;
	s4 =	sadd.s32 s21, s2  }
0x9d: {  	[timem:s6], [sflag:s22] =	dma.local [hbm:s4], s20  }
0x9e: {  	_ =	swait.ge [sflag:s22], s20  }
0x9f: {  	s3 =	ssub.s32 $0x0, s20;
	[sflag:s22] =	ssyncset.done $0x0  }
0xa0: {  	[sflag:s22] =	ssyncadd.s32 s3;
	_ =	sdelay $0x1  }
0xa1: {  	s23 =	simm.s32 $0x1B8B  }
0xa2: {  	_ =	swait.ge [sflag:s23], $0x1  }
0xa3: {  	[sflag:s23] =	ssyncset.done $0x0  }
0xa4: {  	s25 =	simm.s32 $0x1B8E;
	s24 =	sld [smem:$0x3FFE];
	[sflag:s23] =	ssyncadd.s32 $0xFFFFFFFF  }
0xa5: {  	s26 =	simm.s32 $execute0_lowered;
	[smem:$0x3FD2] =	sst s25  }
0xa6: {  	s4 =	sshll.u32 s26, $0x1;
	_ =	strace $0x80000046;
	[dreg:$0x1] =	wrdreg $0xFFFFFFFF  }
0xa7: {  	s28 =	simm.s32 $_size_execute0_lowered;
	s2 =	sadd.s32 s2, s4;
	[dreg:$0x0] =	wrdreg $0x0  }
0xa8: {  	s4 =	sshll.u32 s28, $0x1;
	[dreg:$0x2] =	wrdreg s2  }
0xa9: {  	[dreg:$0x3] =	wrdreg s4  }
0xaa: {  	[dreg:$0x4] =	wrdreg $0xC0  }
0xab: {  	_ =	task [dreg:s6], $0x5FFFF  }
0xac: {  	[dreg:$0x1] =	wrdreg $0xFFFFFFFF  }
0xad: {  	[dreg:$0x0] =	wrdreg $0x60  }
0xae: {  	[dreg:$0x2] =	wrdreg s24  }
0xaf: {  	[dreg:$0x3] =	wrdreg $0x9  }
0xb0: {  	_ =	task.clear_ibuf [dreg:s6], $0x4FFFF;
	_ =	strace $0x90000046  }
0xb1: {  	s29 =	simm.s32 $0x9;
	_ =	strace $0x80000048  }
0xb2: {  	_ =	swait.ge [sflag:s29], $0x1  }
0xb3: {  	[sflag:s29] =	ssyncadd.s32 $0xFFFFFFFF  }
0xb4: {  	_ =	strace $0x90000048  }
0xb5: {  	_ =	sfence  }
0xb6: {  	s30 =	sld [smem:$0x0];
	_ =	sdelay $0x2  }
0xb7: {  	s31 =	sshll.u32 s1, $0xD;
	s1 =	sshrl.u32 s1, $0x2  }
0xb8: {  	s3 =	sand.u32 $0x4000, s31;
	s1 =	sadd.s32 s1, s30  }
0xb9: {  	s0 =	sor.u32 s3, s0;
	s1 =	sshll.u32 s1, $0x11  }
0xba: {  	s0 =	sor.u32 s1, s0  }
0xbb: {  	s0 =	sadd.s32 $0x8F2B, s0  }
0xbc: {  	[sflag:s0] =	ssyncadd.remote.s32 $0x1  }
0xbd: {  	_ =	sfence.sel $0xFFFF  }
0xbe: {  	[dreg:$0x0] =	wrdreg $0xFFFFFFFF;
	(pc) =	sbr.abs _section_cstart, $3  }
0xbf: {  	[dreg:$0x1] =	wrdreg $0xFFFFFFFF  }
0xc0: {  	_ =	task.clear_ibuf [dreg:s6], $0x2FFFF;
	_ =	strace $0x9FFFFFFF  }
0xc1: {  	(tm) =	ssettm $0x7FFFFFFF  }
tec
execute0_lowered:
.L_overlay_start_1:
0x0: {  	(tag) =	ssettag $0x1  }
0x1: {  	s4 =	rddreg [dreg:$0x0]  }
0x2: {  	s0 =	rddreg [dreg:$0x1];
	s3 =	srdreg.scid  }
0x3: {  	s1 =	stileid.u32;
	s2 =	simm.s32 $0x0;
	s20 =	simm.s32 $0x4  }
0x4: {  	s21 =	simm.s32 $0x0;
	s5 =	sand.u32 $0x1, s3;
	s24 =	sshll.u32 s1, $0x1  }
0x5: {  	[smem:$0x7FF] =	sst s2;
	s7 =	sadd.s32 $0xC800, s4;
	s9 =	sshrl.u32 s1, $0x3  }
0x6: {  	s8 =	sadd.s32 $0x800, s4;
	s6 =	sor.u32 s5, s24;
	s11 =	smul.u32 $0xC4000, s9  }
0x7: {  	_ =	strace $0x80000047;
	s5 =	ssub.s32 $0x2, s5;
	s26 =	smul.u32 $0x30000, s9  }
0x8: {  	s9 =	sshll.u32 s9, $0xC;
	s3 =	sshll.u32 s6, $0x1;
	s13 =	sshll.u32 s6, $0x4  }
0x9: {  	s25 =	sshrl.u32 s5, $0x1;
	s6 =	sshll.u32 s6, $0x8;
	s10 =	sand.u32 $0x1E, s3  }
0xa: {  	s3 =	sadd.s32 $0x400, s4;
	s13 =	sadd.s32 s13, s4;
	s6 =	sand.u32 $0x300, s6  }
0xb: {  	s16 =	ssub.s32 s5, s25;
	s12 =	sshrl.u32 s10, $0x3;
	s15 =	smul.u32 $0x1800, s10  }
0xc: {  	v0 =	vimm.s32 $0x13121110;
	s14 =	sor.u32 $0x1, s10;
	s10 =	sshll.u32 s10, $0x7;
	s12 =	smul.u32 $0x31000, s12  }
0xd: {  	v1 =	vunpack.c.0.s8.s32 v0;
	s17 =	sshll.u32 s14, $0x7;
	s14 =	smul.u32 $0x1800, s14;
	s18 =	sor.u32 s9, s10  }
0xe: {  	vm0 =	vcmask $0xF00;
	s10 =	simm.s32 $0x80;
	s29 =	sadd.s32 s26, s15;
	s30 =	sand.u32 $0x380, s17  }
0xf: {  	v0 =	vlaneseq.u32;
	v4 =	vnsel vm0, $0x0, v1;
	s19 =	sor.u32 s9, s17;
	s9 =	smax.u32 s16, $0x1;
	s15 =	simm.s32 $0xF400  }
0x10: {  	v1 =	vor.u32 s18, v0;
	v2 =	vor.u32 s18, v4;
	s16 =	simm.s32 $0x1;
	s17 =	simm.s32 $0x3;
	s18 =	simm.s32 $0x2  }
0x11: {  	s11 =	sadd.s32 s11, s12;
	s5 =	sshrl.u32 s29, $0x3;
	s31 =	sadd.s32 s26, s14  }
0x12: {  	s12 =	simm.s32 $0xC400;
	s14 =	simm.s32 $0xDC00;
	s6 =	sor.u32 s6, s11  }
0x13: {  	v3 =	vor.u32 s19, v0;
	v4 =	vor.u32 s19, v4;
	s19 =	simm.s32 $0x11400;
	s28 =	sshrl.u32 s6, $0x3;
	s6 =	sor.u32 s30, s11  }
0x14: {  	s5 =	sadd.s32 s8, s5;
	s11 =	sshrl.u32 s31, $0x3;
	s6 =	sshrl.u32 s6, $0x3  }
0x15: {  	s4 =	sadd.s32 s7, s28;
	s6 =	sadd.s32 s7, s6;
	s7 =	sadd.s32 s8, s11  }
0x16: {  	v5 =	vimm.s32 $0x0;
	vm0 =	vmmov $0xf;
	s8 =	sadd.s32 $0x3D800, s13;
	s11 =	simm.s32 $0x400;
	s13 =	simm.s32 $0x6200  }
.LBB2_1:
0x17: {  	[tilespmem:s2], [sflag:$0x1] =	stream.strided.gather [hbm4b:s4+s10], $0x6200, s11, s10, $0x38;
	[tilespmem:$0x11480] =	vst v63  }
0x18: {  	_ = 	snop  }
0x19: {  	v6 =	vadd.s32 $0x10, v0;
	[tilespmem:s12], [sflag:$0x1] =	stream.linear.gather [hbm4b:s5+s2], $0x1800, $0x38;
	[tilespmem:$0x11480] =	vst v63  }
0x1a: {  	v7 =	vshll.u32 v5, $0x7;
	v8 =	vshll.u32 v0, $0x3;
	vm1 =	vgt.s32 v6, $0xC7  }
0x1b: {  	v9 =	vadd.s32 $0xFFFFFF48, v0;
	v11 =	vshll.u32 v5, $0x8;
	v10 =	vsel vm1, $0x1, v5;
	[tilespmem:s13], [sflag:$0x2] =	stream.strided.gather [hbm4b:s6+s10], $0x6200, s11, s10, $0x38;
	[tilespmem:$0x11480] =	vst v63  }
0x1c: {  	v7 =	vand.u32 $0x380, v7;
	v6 =	vsel vm1, v9, v6;
	v9 =	vadd.s32 v10, v5  }
0x1d: {  	v8 =	vand.u32 $0xFFFFFC00, v8;
	v10 =	vshll.u32 v6, $0x3;
	v12 =	vshll.u32 v9, $0x8;
	[tilespmem:s14], [sflag:$0x2] =	stream.linear.gather [hbm4b:s7+s2], $0x1800, $0x38;
	[tilespmem:$0x11480] =	vst v63  }
0x1e: {  	v13 =	vshll.u32 v9, $0x7;
	v10 =	vand.u32 $0xFFFFFC00, v10;
	v12 =	vand.u32 $0xFFFFF800, v12  }
0x1f: {  	v11 =	vand.u32 $0xFFFFF800, v11;
	v10 =	vadd.s32 v10, v12;
	v12 =	vand.u32 $0x380, v13;
	[tilespmem:s15], [sflag:$0x3] =	stream.linear.gather [hbm4b:s3+s2], $0x2000, $0x38;
	[tilespmem:$0x11480] =	vst v63  }
0x20: {  	v8 =	vadd.s32 v11, v8;
	v13 =	vand.u32 $0x7F, v6;
	v10 =	vor.u32 v12, v10;
	_ =	swait.ge [sflag:s16], $0x6200  }
0x21: {  	v11 =	vand.u32 $0x7F, v0;
	v7 =	vor.u32 v7, v8;
	v10 =	vor.u32 v13, v10;
	[sflag:s16] =	ssyncset.done $0x0  }
0x22: {  	v7 =	vor.u32 v11, v7;
	[sflag:s16] =	ssyncadd.s32 $0xFFFF9E00  }
0x23: {  	_ =	swait.ge [sflag:s16], $0x1800  }
0x24: {  	[sflag:s16] =	ssyncset.done $0x0  }
0x25: {  	[sflag:s16] =	ssyncadd.s32 $0xFFFFE800  }
0x26: {  	v8 =	vld.idx.msk [tilespmem:v10+s12+$0x0], $0xffff  }
0x27: {  	v10 =	vadd.s32 $0x10, v6;
	v7 =	vld.idx.msk [tilespmem:v7+s12+$0x0], $0xffff  }
0x28: {  	v6 =	vadd.s32 $0xFFFFFF48, v6;
	vm1 =	vgt.s32 v10, $0xC7  }
0x29: {  	v6 =	vsel vm1, v6, v10  }
0x2a: {  	v11 =	vsel vm1, $0x1, v5;
	v12 =	vadd.s32 $0x10, v6;
	v14 =	vshll.u32 v6, $0x3  }
0x2b: {  	v9 =	vadd.s32 v11, v9;
	vm3 =	vgt.s32 v12, $0xC7;
	v14 =	vand.u32 $0xFFFFFC00, v14  }
0x2c: {  	vm1 =	vlt.s32 v8, $0x6200;
	v10 =	vadd.s32 $0xFFFF9E00, v8;
	vm2 =	vlt.s32 v7, $0x6200  }
0x2d: {  	v11 =	vadd.s32 $0xFFFF9E00, v7;
	v13 =	vsel vm3, $0x1, v5;
	v8 =	vsel vm1, v8, v10  }
0x2e: {  	v7 =	vsel vm2, v7, v11;
	v10 =	vshll.u32 v9, $0x7;
	v11 =	vadd.s32 $0xFFFFFF48, v6  }
0x2f: {  	v6 =	vand.u32 $0x7F, v6;
	v11 =	vsel vm3, v11, v12;
	v12 =	vadd.s32 v13, v9  }
0x30: {  	v9 =	vshll.u32 v9, $0x8;
	v10 =	vand.u32 $0x380, v10;
	v13 =	vshll.u32 v11, $0x3  }
0x31: {  	v15 =	vshll.u32 v12, $0x8;
	v16 =	vshll.u32 v12, $0x7;
	v9 =	vand.u32 $0xFFFFF800, v9  }
0x32: {  	v15 =	vand.u32 $0xFFFFF800, v15;
	v13 =	vand.u32 $0xFFFFFC00, v13;
	v9 =	vadd.s32 v9, v14  }
0x33: {  	v13 =	vadd.s32 v13, v15;
	v15 =	vand.u32 $0x380, v16;
	v9 =	vor.u32 v10, v9;
	v7 =	vld.idx.msk [tilespmem:v7+s2+$0x0], $0xffff  }
0x34: {  	v16 =	vand.u32 $0x7F, v11;
	v13 =	vor.u32 v15, v13;
	v8 =	vld.idx.msk [tilespmem:v8+s2+$0x0], $0xffff;
	v9 =	vor.u32 v6, v9  }
0x35: {  	v13 =	vor.u32 v16, v13;
	_ =	sdelay $0x2  }
0x36: {  	v6 =	vshll.u32 v7, $0x10;
	v7 =	vand.u32 $0xFFFF0000, v7  }
0x37: {  	v10 =	vand.u32 $0xFFFF0000, v8;
	v8 =	vshll.u32 v8, $0x10;
	v9 =	vld.idx.msk [tilespmem:v9+s12+$0x0], $0xffff;
	v7 =	vsel vm2, v6, v7  }
0x38: {  	v13 =	vld.idx.msk [tilespmem:v13+s12+$0x0], $0xffff;
	v6 =	vsel vm1, v8, v10;
	v8 =	vand.u32 $0x7FFFFFFF, v7  }
0x39: {  	v14 =	vadd.s32 $0x10, v11;
	v10 =	vand.u32 $0x7FFFFFFF, v6;
	v15 =	vsub.f32 $0.0e+00, v8  }
0x3a: {  	v11 =	vadd.s32 $0xFFFFFF48, v11;
	vm2 =	vgt.s32 v14, $0xC7;
	v10 =	vsub.f32 $0.0e+00, v10  }
0x3b: {  	v16 =	vsel vm2, $0x1, v5;
	v11 =	vsel vm2, v11, v14;
	v15 =	vmul.f32 $1.442695020e+00, v15  }
0x3c: {  	v10 =	vmul.f32 $1.442695020e+00, v10;
	vm2 =	vlt.s32 v9, $0x6200;
	v14 =	vadd.s32 $0xFFFF9E00, v9  }
0x3d: {  	vm1 =	vlt.s32 v13, $0x6200;
	v17 =	vadd.s32 $0xFFFF9E00, v13;
	v9 =	vsel vm2, v9, v14  }
0x3e: {  	v8 =	vimm.f32 $0.0e+00;
	v13 =	vsel vm1, v13, v17;
	(erf) = vpow2.f32 v15  }
0x3f: {  	(erf) = vpow2.f32 v10;
	v10 =	vadd.s32 v16, v12;
	v12 =	vadd.s32 $0x10, v11  }
0x40: {  	v14 =	vand.u32 $0x7F, v11;
	v16 =	vshll.u32 v11, $0x3;
	vm3 =	vgt.s32 v12, $0xC7  }
0x41: {  	v11 =	vadd.s32 $0xFFFFFF48, v11;
	v15 =	vshll.u32 v10, $0x7;
	v17 =	vsel vm3, $0x1, v5  }
0x42: {  	v16 =	vand.u32 $0xFFFFFC00, v16;
	v12 =	vsel vm3, v11, v12;
	v19 =	vadd.s32 v17, v10;
	v18 =	vld.idx.msk [tilespmem:v9+s2+$0x0], $0xffff  }
0x43: {  	v15 =	vand.u32 $0x380, v15;
	v11 =	vld.idx.msk [tilespmem:v13+s2+$0x0], $0xffff;
	v13 =	vshll.u32 v12, $0x3;
	v17 =	vshll.u32 v19, $0x8  }
0x44: {  	v9 =	vshll.u32 v19, $0x7;
	v17 =	vand.u32 $0xFFFFF800, v17;
	v13 =	vand.u32 $0xFFFFFC00, v13  }
0x45: {  	v10 =	vshll.u32 v10, $0x8;
	v9 =	vand.u32 $0x380, v9;
	v13 =	vadd.s32 v13, v17  }
0x46: {  	v20 =	vand.u32 $0x7F, v12;
	v10 =	vand.u32 $0xFFFFF800, v10;
	v9 =	vor.u32 v9, v13  }
0x47: {  	v22 =	vadd.s32 $0x10, v12;
	v10 =	vadd.s32 v10, v16;
	v17 =	vpop (erf);
	v16 =	vor.u32 v20, v9  }
0x48: {  	v10 =	vor.u32 v15, v10;
	v13 =	vadd.s32 $0xFFFFFF48, v12;
	v20 =	vshll.u32 v18, $0x10;
	v21 =	vpop (erf)  }
0x49: {  	v18 =	vand.u32 $0xFFFF0000, v18;
	v9 =	vadd.f32 $1.000000000e+00, v21;
	v21 =	vor.u32 v14, v10  }
0x4a: {  	v15 =	vand.u32 $0xFFFF0000, v11;
	v11 =	vshll.u32 v11, $0x10;
	v10 =	vsel vm2, v20, v18  }
0x4b: {  	v11 =	vsel vm1, v11, v15;
	v14 =	vadd.f32 $1.000000000e+00, v17;
	v18 =	vand.u32 $0x7FFFFFFF, v10  }
0x4c: {  	v15 =	vand.u32 $0x7FFFFFFF, v11;
	v20 =	vmul.f32 $3.010224740e-02, v9;
	v17 =	vsub.f32 $0.0e+00, v18;
	v18 =	vld.idx.msk [tilespmem:v16+s12+$0x0], $0xffff  }
0x4d: {  	vm1 =	vgt.s32 v22, $0xC7;
	v12 =	vsub.f32 $0.0e+00, v15;
	v23 =	vmul.f32 $3.010224740e-02, v14  }
0x4e: {  	v24 =	vsel vm1, $0x1, v5;
	v13 =	vsel vm1, v13, v22;
	v16 =	vadd.f32 $-2.806291580e-01, v20;
	v20 =	vld.idx.msk [tilespmem:v21+s12+$0x0], $0xffff  }
0x4f: {  	s22 =	simm.s32 $0x7A;
	v15 =	vmul.f32 $1.442695020e+00, v12;
	v12 =	vadd.s32 v24, v19;
	v19 =	vadd.f32 $-2.806291580e-01, v23  }
.LBB2_2:
0x50: {  	p0 =	sne.s32 s22, $0x1;
	s22 =	sadd.s32 $0xFFFFFFFF, s22;
	v16 =	vmul.f32 v16, v9;
	v21 =	vmax.f32 v6, $0.0e+00;
	v6 =	vmov v11  }
0x51: {  	vm1 =	vlt.s32 v18, $0x6200;
	v11 =	vadd.s32 $0xFFFF9E00, v18;
	v19 =	vmul.f32 v19, v14  }
0x52: {  	v17 =	vmul.f32 $1.442695020e+00, v17;
	v11 =	vsel vm1, v18, v11;
	v16 =	vadd.f32 $1.104796530e+00, v16  }
0x53: {  	vm2 =	vlt.s32 v20, $0x6200;
	v18 =	vadd.s32 $0xFFFF9E00, v20;
	v19 =	vadd.f32 $1.104796530e+00, v19  }
0x54: {  	v18 =	vsel vm2, v20, v18;
	v20 =	vmax.f32 v7, $0.0e+00;
	v7 =	vmovc v10;
	v16 =	vmul.f32 v16, v9  }
0x55: {  	v10 =	vand.u32 $0x7F, v13;
	(erf) = vpow2.f32 v17;
	v17 =	vmul.f32 v19, v14  }
0x56: {  	v19 =	vshll.u32 v12, $0x7;
	(erf) = vpow2.f32 v15;
	v15 =	vadd.f32 $-2.420793060e+00, v16  }
0x57: {  	v16 =	vshll.u32 v13, $0x3;
	v19 =	vand.u32 $0x380, v19;
	v11 =	vld.idx.msk [tilespmem:v11+s2+$0x0], $0xffff;
	v17 =	vadd.f32 $-2.420793060e+00, v17  }
0x58: {  	v22 =	vshll.u32 v12, $0x8;
	v16 =	vand.u32 $0xFFFFFC00, v16;
	v15 =	vmul.f32 v15, v9  }
0x59: {  	v23 =	vadd.s32 $0x10, v13;
	v22 =	vand.u32 $0xFFFFF800, v22;
	v17 =	vmul.f32 v17, v14  }
0x5a: {  	vm3 =	vgt.s32 v23, $0xC7;
	v13 =	vadd.s32 $0xFFFFFF48, v13;
	v15 =	vadd.f32 $3.498211860e+00, v15  }
0x5b: {  	v24 =	vsel vm3, $0x1, v5;
	v13 =	vsel vm3, v13, v23;
	v18 =	vld.idx.msk [tilespmem:v18+s2+$0x0], $0xffff;
	v17 =	vadd.f32 $3.498211860e+00, v17  }
0x5c: {  	v12 =	vadd.s32 v24, v12;
	v23 =	vshll.u32 v13, $0x3;
	v24 =	vadd.s32 $0xFFFFFF48, v13  }
0x5d: {  	v27 =	vshll.u32 v12, $0x8;
	v26 =	vshll.u32 v12, $0x7;
	v14 =	vmul.f32 v17, v14  }
0x5e: {  	v9 =	vmul.f32 v15, v9;
	v17 =	vand.u32 $0xFFFFF800, v27;
	v27 =	vand.u32 $0xFFFFFC00, v23;
	v25 =	vpop (erf)  }
0x5f: {  	v15 =	vadd.s32 v27, v17;
	v17 =	vand.u32 $0x380, v26;
	v23 =	vpop (erf);
	v14 =	vadd.f32 $-1.931666370e+00, v14  }
0x60: {  	v26 =	vand.u32 $0x7F, v13;
	v15 =	vor.u32 v17, v15;
	v17 =	vadd.f32 $-1.931666370e+00, v9  }
0x61: {  	v16 =	vadd.s32 v22, v16;
	v15 =	vor.u32 v26, v15;
	v9 =	vadd.f32 $1.000000000e+00, v23  }
0x62: {  	v16 =	vor.u32 v19, v16;
	v19 =	vand.u32 $0xFFFF0000, v11;
	v14 =	vadd.f32 v14, v20  }
0x63: {  	v16 =	vor.u32 v10, v16;
	v11 =	vshll.u32 v11, $0x10;
	v10 =	vshll.u32 v18, $0x10  }
0x64: {  	v11 =	vsel vm1, v11, v19;
	v18 =	vand.u32 $0xFFFF0000, v18;
	v8 =	vadd.f32 v14, v8  }
0x65: {  	v19 =	vand.u32 $0x7FFFFFFF, v11;
	v10 =	vsel vm2, v10, v18;
	v21 =	vadd.f32 v17, v21  }
.Ltmp0:
0x66: {  	v22 =	vmul.f32 $3.010224740e-02, v9;
	v14 =	vadd.f32 $1.000000000e+00, v25;
	v18 =	vld.idx.msk [tilespmem:v15+s12+$0x0], $0xffff;
	v15 =	vand.u32 $0x7FFFFFFF, v10;
	(pc) =	sbr.rel @p0 .LBB2_2-.Ltmp0, $4  }
0x67: {  	v13 =	vadd.s32 $0x10, v13;
	v17 =	vsub.f32 $0.0e+00, v15;
	v15 =	vsub.f32 $0.0e+00, v19  }
0x68: {  	vm1 =	vgt.s32 v13, $0xC7;
	v19 =	vmul.f32 $3.010224740e-02, v14;
	v20 =	vld.idx.msk [tilespmem:v16+s12+$0x0], $0xffff;
	v16 =	vadd.f32 $-2.806291580e-01, v22  }
0x69: {  	v8 =	vadd.f32 v21, v8;
	v22 =	vsel vm1, $0x1, v5;
	v15 =	vmul.f32 $1.442695020e+00, v15  }
0x6a: {  	v13 =	vsel vm1, v24, v13;
	v12 =	vadd.s32 v22, v12;
	v19 =	vadd.f32 $-2.806291580e-01, v19  }
0x6b: {  	_ =	sdelay $0x1  }
0x6c: {  	vm1 =	vlt.s32 v20, $0x6200;
	v12 =	vadd.s32 $0xFFFF9E00, v20  }
0x6d: {  	vm2 =	vlt.s32 v18, $0x6200;
	v13 =	vadd.s32 $0xFFFF9E00, v18;
	v12 =	vsel vm1, v20, v12  }
0x6e: {  	v13 =	vsel vm2, v18, v13;
	_ =	sdelay $0x3  }
0x6f: {  	v12 =	vld.idx.msk [tilespmem:v12+s2+$0x0], $0xffff  }
0x70: {  	v13 =	vld.idx.msk [tilespmem:v13+s2+$0x0], $0xffff;
	_ =	sdelay $0x3  }
0x71: {  	v18 =	vshll.u32 v12, $0x10;
	v12 =	vand.u32 $0xFFFF0000, v12  }
0x72: {  	v20 =	vand.u32 $0xFFFF0000, v13;
	v21 =	vshll.u32 v13, $0x10;
	v13 =	vsel vm1, v18, v12  }
0x73: {  	v12 =	vsel vm2, v21, v20;
	v18 =	vand.u32 $0x7FFFFFFF, v13  }
0x74: {  	v17 =	vmul.f32 $1.442695020e+00, v17;
	v20 =	vand.u32 $0x7FFFFFFF, v12;
	v18 =	vsub.f32 $0.0e+00, v18  }
0x75: {  	v20 =	vsub.f32 $0.0e+00, v20  }
0x76: {  	(erf) = vpow2.f32 v17;
	v17 =	vmul.f32 $1.442695020e+00, v18  }
0x77: {  	(erf) = vpow2.f32 v15;
	v15 =	vmul.f32 $1.442695020e+00, v20  }
0x78: {  	(erf) = vpow2.f32 v17  }
0x79: {  	(erf) = vpow2.f32 v15;
	_ =	sdelay $0x5  }
0x7a: {  	v15 =	vpop (erf)  }
0x7b: {  	v17 =	vpop (erf)  }
0x7c: {  	v18 =	vpop (erf)  }
0x7d: {  	v20 =	vpop (erf)  }
0x7e: {  	_ =	swait.ge [sflag:s17], $0x2000  }
0x7f: {  	[sflag:s17] =	ssyncset.done $0x0  }
0x80: {  	[sflag:s17] =	ssyncadd.s32 $0xFFFFE000  }
0x81: {  	v21 =	vld.idx.msk [tilespmem:v1+s15+$0x0], $0xffff  }
0x82: {  	v19 =	vmul.f32 v19, v14  }
0x83: {  	v16 =	vmul.f32 v16, v9  }
0x84: {  	v19 =	vadd.f32 $1.104796530e+00, v19  }
0x85: {  	v16 =	vadd.f32 $1.104796530e+00, v16  }
0x86: {  	v19 =	vmul.f32 v19, v14;
	vm2 =	vlt.s32 v21, $0x6200;
	v22 =	vadd.s32 $0xFFFF9E00, v21  }
0x87: {  	v16 =	vmul.f32 v16, v9;
	v21 =	vsel vm2, v21, v22;
	v22 =	vld.idx.msk [tilespmem:v2+s15+$0x0], $0xffff  }
0x88: {  	v19 =	vadd.f32 $-2.420793060e+00, v19  }
0x89: {  	v16 =	vadd.f32 $-2.420793060e+00, v16  }
0x8a: {  	v19 =	vmul.f32 v19, v14  }
0x8b: {  	v16 =	vmul.f32 v16, v9  }
0x8c: {  	v19 =	vadd.f32 $3.498211860e+00, v19;
	v17 =	vadd.f32 $1.000000000e+00, v17;
	v21 =	vld.idx.msk [tilespmem:v21+s2+$0x0], $0xffff;
	v22 =	vnsel vm0, $0x0, v22  }
0x8d: {  	v15 =	vadd.f32 $1.000000000e+00, v15;
	vm1 =	vlt.s32 v22, $0x6200;
	v23 =	vadd.s32 $0xFFFF9E00, v22  }
0x8e: {  	v14 =	vmul.f32 v19, v14;
	v24 =	vmul.f32 $3.010224740e-02, v17;
	v22 =	vsel vm1, v22, v23  }
0x8f: {  	v16 =	vadd.f32 $3.498211860e+00, v16;
	v19 =	vmul.f32 $3.010224740e-02, v15  }
0x90: {  	v7 =	vmax.f32 v7, $0.0e+00;
	v63 =	vadd.f32 $-1.931666370e+00, v14;
	v23 =	vadd.f32 $-2.806291580e-01, v24  }
0x91: {  	v19 =	vadd.f32 $-2.806291580e-01, v19;
	v62 =	vshll.u32 v21, $0x10;
	v21 =	vand.u32 $0xFFFF0000, v21  }
0x92: {  	v7 =	vadd.f32 v63, v7;
	v23 =	vmul.f32 v23, v17;
	v21 =	vsel vm2, v62, v21  }
0x93: {  	v9 =	vmul.f32 v16, v9;
	v16 =	vmul.f32 v19, v15;
	v14 =	vsub.f32 $0.0e+00, v21;
	v19 =	vld.idx.msk [tilespmem:v22+s2+$0x0], $0xffff  }
0x94: {  	v7 =	vadd.f32 v7, v8;
	v21 =	vadd.f32 $1.104796530e+00, v23  }
0x95: {  	v23 =	vmax.f32 v6, $0.0e+00;
	v6 =	vadd.f32 $1.104796530e+00, v16;
	v22 =	vand.u32 $0x7FFFFFFF, v14  }
0x96: {  	v18 =	vadd.f32 $1.000000000e+00, v18;
	v16 =	vsub.f32 $0.0e+00, v22  }
0x97: {  	v20 =	vadd.f32 $1.000000000e+00, v20;
	v8 =	vmul.f32 v21, v17;
	v6 =	vmul.f32 v6, v15  }
0x98: {  	v16 =	vmul.f32 $1.442695020e+00, v16;
	v21 =	vshll.u32 v19, $0x10;
	v19 =	vand.u32 $0xFFFF0000, v19  }
0x99: {  	v22 =	vadd.f32 $-2.420793060e+00, v6;
	v6 =	vsel vm1, v21, v19;
	v19 =	vmul.f32 $3.010224740e-02, v18  }
0x9a: {  	v9 =	vadd.f32 $-1.931666370e+00, v9;
	(erf) = vpow2.f32 v16  }
0x9b: {  	v16 =	vmul.f32 $3.010224740e-02, v20;
	v6 =	vsub.f32 $0.0e+00, v6;
	v19 =	vadd.f32 $-2.806291580e-01, v19  }
0x9c: {  	v9 =	vadd.f32 v9, v23;
	v8 =	vadd.f32 $-2.420793060e+00, v8;
	v21 =	vmul.f32 v22, v15  }
0x9d: {  	v16 =	vadd.f32 $-2.806291580e-01, v16;
	v22 =	vand.u32 $0x7FFFFFFF, v6;
	v19 =	vmul.f32 v19, v18  }
0x9e: {  	v21 =	vadd.f32 $3.498211860e+00, v21;
	v22 =	vsub.f32 $0.0e+00, v22  }
0x9f: {  	v8 =	vmul.f32 v8, v17;
	v16 =	vmul.f32 v16, v20;
	v19 =	vadd.f32 $1.104796530e+00, v19  }
0xa0: {  	v7 =	vadd.f32 v9, v7;
	v9 =	vmul.f32 v21, v15;
	v15 =	vmul.f32 $1.442695020e+00, v22  }
0xa1: {  	v16 =	vadd.f32 $1.104796530e+00, v16  }
0xa2: {  	v8 =	vadd.f32 $3.498211860e+00, v8;
	v9 =	vadd.f32 $-1.931666370e+00, v9;
	(erf) = vpow2.f32 v15  }
0xa3: {  	v10 =	vmax.f32 v10, $0.0e+00;
	v15 =	vmul.f32 v16, v20;
	v16 =	vmul.f32 v19, v18;
	v19 =	vpop (erf)  }
0xa4: {  	v8 =	vmul.f32 v8, v17;
	v9 =	vadd.f32 v9, v10;
	v10 =	vadd.f32 $1.000000000e+00, v19  }
0xa5: {  	v15 =	vadd.f32 $-2.420793060e+00, v15;
	v16 =	vadd.f32 $-2.420793060e+00, v16  }
0xa6: {  	v11 =	vmax.f32 v11, $0.0e+00;
	v8 =	vadd.f32 $-1.931666370e+00, v8;
	v17 =	vmul.f32 $3.010224740e-02, v10  }
0xa7: {  	v7 =	vadd.f32 v9, v7;
	v9 =	vmul.f32 v15, v20;
	v15 =	vmul.f32 v16, v18  }
0xa8: {  	v8 =	vadd.f32 v8, v11;
	v11 =	vadd.f32 $-2.806291580e-01, v17  }
0xa9: {  	v13 =	vmax.f32 v13, $0.0e+00;
	v9 =	vadd.f32 $3.498211860e+00, v9;
	v15 =	vadd.f32 $3.498211860e+00, v15  }
0xaa: {  	v7 =	vadd.f32 v8, v7;
	v8 =	vmul.f32 v11, v10;
	v11 =	vlaneseq.u32  }
0xab: {  	v15 =	vmul.f32 v15, v18;
	v9 =	vmul.f32 v9, v20;
	v16 =	vpop (erf);
	v18 =	vimm.s32 $0x0  }
0xac: {  	v17 =	vadd.s32 $0x10, v11;
	v16 =	vadd.f32 $1.000000000e+00, v16;
	v8 =	vadd.f32 $1.104796530e+00, v8  }
0xad: {  	v19 =	vadd.s32 $0xFFFFFF48, v11;
	vm1 =	vgt.s32 v17, $0xC7;
	v15 =	vadd.f32 $-1.931666370e+00, v15  }
0xae: {  	v20 =	vsel vm1, $0x1, v5;
	v17 =	vsel vm1, v19, v17;
	v8 =	vmul.f32 v8, v10  }
0xaf: {  	v19 =	vadd.s32 v20, v18;
	v20 =	vmul.f32 $3.010224740e-02, v16;
	v21 =	vshll.u32 v17, $0x3  }
0xb0: {  	v22 =	vshll.u32 v19, $0x8;
	v23 =	vshll.u32 v19, $0x7;
	v21 =	vand.u32 $0xFFFFFC00, v21  }
0xb1: {  	v22 =	vand.u32 $0xFFFFF800, v22;
	v20 =	vadd.f32 $-2.806291580e-01, v20;
	v8 =	vadd.f32 $-2.420793060e+00, v8  }
0xb2: {  	v21 =	vadd.s32 v21, v22;
	v22 =	vand.u32 $0x380, v23;
	v23 =	vshll.u32 v11, $0x3  }
0xb3: {  	v11 =	vand.u32 $0x7F, v11;
	v21 =	vor.u32 v22, v21;
	v20 =	vmul.f32 v20, v16  }
0xb4: {  	v22 =	vshll.u32 v18, $0x8;
	v23 =	vand.u32 $0xFFFFFC00, v23;
	v18 =	vshll.u32 v18, $0x7  }
0xb5: {  	v8 =	vmul.f32 v8, v10;
	v22 =	vand.u32 $0xFFFFF800, v22;
	v20 =	vadd.f32 $1.104796530e+00, v20  }
0xb6: {  	_ =	swait.ge [sflag:s18], $0x6200;
	v18 =	vand.u32 $0x380, v18;
	v22 =	vadd.s32 v22, v23;
	v23 =	vand.u32 $0x7F, v17  }
0xb7: {  	[sflag:s18] =	ssyncset.done $0x0;
	v21 =	vor.u32 v23, v21;
	v18 =	vor.u32 v18, v22;
	v20 =	vmul.f32 v20, v16  }
0xb8: {  	v9 =	vadd.f32 $-1.931666370e+00, v9;
	[sflag:s18] =	ssyncadd.s32 $0xFFFF9E00;
	v13 =	vadd.f32 v15, v13;
	v11 =	vor.u32 v11, v18  }
0xb9: {  	v12 =	vmax.f32 v12, $0.0e+00;
	_ =	swait.ge [sflag:s18], $0x1800;
	v8 =	vadd.f32 $3.498211860e+00, v8;
	v15 =	vadd.f32 $-2.420793060e+00, v20  }
0xba: {  	v9 =	vadd.f32 v9, v12;
	[sflag:s18] =	ssyncset.done $0x0;
	v7 =	vadd.f32 v13, v7  }
0xbb: {  	[sflag:s18] =	ssyncadd.s32 $0xFFFFE800;
	v8 =	vmul.f32 v8, v10;
	v10 =	vadd.s32 $0x10, v17;
	v12 =	vmul.f32 v15, v16  }
0xbc: {  	v7 =	vadd.f32 v9, v7;
	vm1 =	vgt.s32 v10, $0xC7;
	v13 =	vld.idx.msk [tilespmem:v21+s14+$0x0], $0xffff;
	v15 =	vadd.s32 $0xFFFFFF48, v17  }
0xbd: {  	v8 =	vadd.f32 $-1.931666370e+00, v8;
	v11 =	vld.idx.msk [tilespmem:v11+s14+$0x0], $0xffff;
	v10 =	vsel vm1, v15, v10;
	v9 =	vadd.f32 $3.498211860e+00, v12  }
0xbe: {  	v12 =	vmax.f32 v14, $0.0e+00;
	v14 =	vsel vm1, $0x1, v5;
	v17 =	vadd.s32 $0x10, v10  }
0xbf: {  	v14 =	vadd.s32 v14, v19;
	vm3 =	vgt.s32 v17, $0xC7;
	v19 =	vshll.u32 v10, $0x3  }
0xc0: {  	v8 =	vadd.f32 v8, v12;
	v9 =	vmul.f32 v9, v16;
	v18 =	vsel vm3, $0x1, v5  }
0xc1: {  	v19 =	vand.u32 $0xFFFFFC00, v19;
	vm1 =	vlt.s32 v13, $0x6200;
	v15 =	vadd.s32 $0xFFFF9E00, v13  }
0xc2: {  	vm2 =	vlt.s32 v11, $0x6200;
	v16 =	vadd.s32 $0xFFFF9E00, v11;
	v13 =	vsel vm1, v13, v15  }
0xc3: {  	v15 =	vshll.u32 v14, $0x7;
	v11 =	vsel vm2, v11, v16;
	v16 =	vadd.s32 $0xFFFFFF48, v10  }
0xc4: {  	v15 =	vand.u32 $0x380, v15;
	v10 =	vand.u32 $0x7F, v10;
	v16 =	vsel vm3, v16, v17  }
0xc5: {  	v17 =	vadd.s32 v18, v14;
	v14 =	vshll.u32 v14, $0x8;
	v18 =	vshll.u32 v16, $0x3  }
0xc6: {  	v20 =	vshll.u32 v17, $0x8;
	v21 =	vshll.u32 v17, $0x7;
	v14 =	vand.u32 $0xFFFFF800, v14  }
0xc7: {  	v20 =	vand.u32 $0xFFFFF800, v20;
	v18 =	vand.u32 $0xFFFFFC00, v18;
	v14 =	vadd.s32 v14, v19;
	v13 =	vld.idx.msk [tilespmem:v13+s13+$0x0], $0xffff  }
0xc8: {  	v18 =	vadd.s32 v18, v20;
	v20 =	vand.u32 $0x380, v21;
	v12 =	vor.u32 v15, v14;
	v11 =	vld.idx.msk [tilespmem:v11+s13+$0x0], $0xffff  }
0xc9: {  	v21 =	vand.u32 $0x7F, v16;
	v18 =	vor.u32 v20, v18;
	v10 =	vor.u32 v10, v12  }
0xca: {  	v9 =	vadd.f32 $-1.931666370e+00, v9;
	v18 =	vor.u32 v21, v18  }
0xcb: {  	v6 =	vmax.f32 v6, $0.0e+00  }
0xcc: {  	v8 =	vadd.f32 v8, v7;
	v6 =	vadd.f32 v9, v6  }
0xcd: {  	v14 =	vadd.s32 $0x10, v16;
	v12 =	vshll.u32 v13, $0x10;
	v7 =	vshll.u32 v11, $0x10  }
0xce: {  	v9 =	vand.u32 $0xFFFF0000, v11;
	v11 =	vand.u32 $0xFFFF0000, v13;
	v13 =	vnsel vm0, $0x0, v6;
	v10 =	vld.idx.msk [tilespmem:v10+s14+$0x0], $0xffff  }
0xcf: {  	v7 =	vsel vm2, v7, v9;
	v9 =	vld.idx.msk [tilespmem:v18+s14+$0x0], $0xffff;
	v6 =	vsel vm1, v12, v11;
	v8 =	vadd.f32 v13, v8  }
0xd0: {  	vm2 =	vgt.s32 v14, $0xC7;
	v11 =	vand.u32 $0x7FFFFFFF, v7;
	v12 =	vand.u32 $0x7FFFFFFF, v6  }
0xd1: {  	v13 =	vadd.s32 $0xFFFFFF48, v16;
	v11 =	vsub.f32 $0.0e+00, v11;
	v12 =	vsub.f32 $0.0e+00, v12  }
0xd2: {  	v15 =	vsel vm2, $0x1, v5;
	v13 =	vsel vm2, v13, v14  }
0xd3: {  	v14 =	vand.u32 $0x7F, v13;
	v11 =	vmul.f32 $1.442695020e+00, v11;
	v12 =	vmul.f32 $1.442695020e+00, v12  }
0xd4: {  	vm2 =	vlt.s32 v10, $0x6200;
	vm1 =	vlt.s32 v9, $0x6200;
	v16 =	vadd.s32 $0xFFFF9E00, v9  }
0xd5: {  	v9 =	vsel vm1, v9, v16;
	(erf) = vpow2.f32 v11;
	v11 =	vadd.s32 $0xFFFF9E00, v10  }
0xd6: {  	(erf) = vpow2.f32 v12;
	v10 =	vsel vm2, v10, v11;
	v11 =	vadd.s32 $0x10, v13  }
0xd7: {  	v16 =	vshll.u32 v13, $0x3;
	v12 =	vadd.s32 v15, v17;
	vm3 =	vgt.s32 v11, $0xC7  }
0xd8: {  	v13 =	vadd.s32 $0xFFFFFF48, v13;
	v16 =	vand.u32 $0xFFFFFC00, v16;
	v17 =	vsel vm3, $0x1, v5  }
0xd9: {  	v15 =	vshll.u32 v12, $0x7;
	v13 =	vsel vm3, v13, v11;
	v20 =	vadd.s32 v17, v12  }
0xda: {  	v11 =	vld.idx.msk [tilespmem:v9+s13+$0x0], $0xffff;
	v9 =	vshll.u32 v12, $0x8;
	v12 =	vshll.u32 v13, $0x3;
	v17 =	vshll.u32 v20, $0x8  }
0xdb: {  	v18 =	vshll.u32 v20, $0x7;
	v17 =	vand.u32 $0xFFFFF800, v17;
	v12 =	vand.u32 $0xFFFFFC00, v12  }
0xdc: {  	v15 =	vand.u32 $0x380, v15;
	v10 =	vld.idx.msk [tilespmem:v10+s13+$0x0], $0xffff;
	v12 =	vadd.s32 v12, v17;
	v17 =	vand.u32 $0x380, v18  }
0xdd: {  	v19 =	vand.u32 $0x7F, v13;
	v9 =	vand.u32 $0xFFFFF800, v9;
	v12 =	vor.u32 v17, v12  }
0xde: {  	v21 =	vadd.s32 $0xFFFFFF48, v13;
	v16 =	vadd.s32 v9, v16;
	v18 =	vpop (erf);
	v19 =	vor.u32 v19, v12  }
0xdf: {  	v22 =	vadd.s32 $0x10, v13;
	v12 =	vor.u32 v15, v16;
	v17 =	vpop (erf);
	v15 =	vand.u32 $0xFFFF0000, v11  }
0xe0: {  	v11 =	vshll.u32 v11, $0x10;
	v14 =	vor.u32 v14, v12;
	v9 =	vadd.f32 $1.000000000e+00, v17  }
0xe1: {  	v16 =	vshll.u32 v10, $0x10;
	v17 =	vand.u32 $0xFFFF0000, v10;
	v10 =	vsel vm1, v11, v15  }
0xe2: {  	v12 =	vadd.f32 $1.000000000e+00, v18;
	v11 =	vsel vm2, v16, v17;
	v15 =	vand.u32 $0x7FFFFFFF, v10  }
0xe3: {  	v16 =	vand.u32 $0x7FFFFFFF, v11;
	v18 =	vmul.f32 $3.010224740e-02, v9;
	v13 =	vsub.f32 $0.0e+00, v15;
	v17 =	vld.idx.msk [tilespmem:v19+s14+$0x0], $0xffff  }
0xe4: {  	vm1 =	vgt.s32 v22, $0xC7;
	v23 =	vmul.f32 $3.010224740e-02, v12;
	v15 =	vsub.f32 $0.0e+00, v16  }
0xe5: {  	v16 =	vsel vm1, $0x1, v5;
	v19 =	vadd.f32 $-2.806291580e-01, v18;
	v13 =	vmul.f32 $1.442695020e+00, v13;
	v18 =	vld.idx.msk [tilespmem:v14+s14+$0x0], $0xffff  }
0xe6: {  	s22 =	simm.s32 $0x7A;
	v14 =	vadd.s32 v16, v20;
	v16 =	vsel vm1, v21, v22;
	v20 =	vadd.f32 $-2.806291580e-01, v23  }
.LBB2_4:
0xe7: {  	p0 =	sne.s32 s22, $0x1;
	s22 =	sadd.s32 $0xFFFFFFFF, s22;
	v19 =	vmul.f32 v19, v9;
	v21 =	vmax.f32 v6, $0.0e+00;
	v6 =	vmov v10  }
0xe8: {  	vm1 =	vlt.s32 v17, $0x6200;
	v10 =	vadd.s32 $0xFFFF9E00, v17;
	v20 =	vmul.f32 v20, v12  }
0xe9: {  	v15 =	vmul.f32 $1.442695020e+00, v15;
	v10 =	vsel vm1, v17, v10;
	v17 =	vadd.f32 $1.104796530e+00, v19  }
0xea: {  	vm2 =	vlt.s32 v18, $0x6200;
	v19 =	vadd.s32 $0xFFFF9E00, v18;
	v20 =	vadd.f32 $1.104796530e+00, v20  }
0xeb: {  	v18 =	vsel vm2, v18, v19;
	v19 =	vmax.f32 v7, $0.0e+00;
	v7 =	vmovc v11;
	v17 =	vmul.f32 v17, v9  }
0xec: {  	v11 =	vand.u32 $0x7F, v16;
	(erf) = vpow2.f32 v15;
	v15 =	vmul.f32 v20, v12  }
0xed: {  	v20 =	vshll.u32 v14, $0x7;
	(erf) = vpow2.f32 v13;
	v13 =	vadd.f32 $-2.420793060e+00, v17  }
0xee: {  	v17 =	vshll.u32 v16, $0x3;
	v20 =	vand.u32 $0x380, v20;
	v10 =	vld.idx.msk [tilespmem:v10+s13+$0x0], $0xffff;
	v15 =	vadd.f32 $-2.420793060e+00, v15  }
0xef: {  	v22 =	vshll.u32 v14, $0x8;
	v17 =	vand.u32 $0xFFFFFC00, v17;
	v13 =	vmul.f32 v13, v9  }
0xf0: {  	v23 =	vadd.s32 $0x10, v16;
	v22 =	vand.u32 $0xFFFFF800, v22;
	v15 =	vmul.f32 v15, v12  }
0xf1: {  	vm3 =	vgt.s32 v23, $0xC7;
	v16 =	vadd.s32 $0xFFFFFF48, v16;
	v13 =	vadd.f32 $3.498211860e+00, v13  }
0xf2: {  	v24 =	vsel vm3, $0x1, v5;
	v16 =	vsel vm3, v16, v23;
	v18 =	vld.idx.msk [tilespmem:v18+s13+$0x0], $0xffff;
	v15 =	vadd.f32 $3.498211860e+00, v15  }
0xf3: {  	v14 =	vadd.s32 v24, v14;
	v23 =	vshll.u32 v16, $0x3;
	v24 =	vadd.s32 $0xFFFFFF48, v16  }
0xf4: {  	v27 =	vshll.u32 v14, $0x8;
	v26 =	vshll.u32 v14, $0x7;
	v12 =	vmul.f32 v15, v12  }
0xf5: {  	v9 =	vmul.f32 v13, v9;
	v15 =	vand.u32 $0xFFFFF800, v27;
	v27 =	vand.u32 $0xFFFFFC00, v23;
	v25 =	vpop (erf)  }
0xf6: {  	v13 =	vadd.s32 v27, v15;
	v15 =	vand.u32 $0x380, v26;
	v23 =	vpop (erf);
	v12 =	vadd.f32 $-1.931666370e+00, v12  }
0xf7: {  	v26 =	vand.u32 $0x7F, v16;
	v13 =	vor.u32 v15, v13;
	v15 =	vadd.f32 $-1.931666370e+00, v9  }
0xf8: {  	v17 =	vadd.s32 v22, v17;
	v13 =	vor.u32 v26, v13;
	v9 =	vadd.f32 $1.000000000e+00, v23  }
0xf9: {  	v17 =	vor.u32 v20, v17;
	v20 =	vand.u32 $0xFFFF0000, v10;
	v12 =	vadd.f32 v12, v19  }
0xfa: {  	v10 =	vshll.u32 v10, $0x10;
	v19 =	vor.u32 v11, v17;
	v11 =	vshll.u32 v18, $0x10  }
0xfb: {  	v10 =	vsel vm1, v10, v20;
	v17 =	vand.u32 $0xFFFF0000, v18;
	v8 =	vadd.f32 v12, v8  }
0xfc: {  	v18 =	vand.u32 $0x7FFFFFFF, v10;
	v20 =	vadd.f32 v15, v21;
	v11 =	vsel vm2, v11, v17  }
.Ltmp1:
0xfd: {  	v21 =	vmul.f32 $3.010224740e-02, v9;
	v12 =	vadd.f32 $1.000000000e+00, v25;
	v17 =	vld.idx.msk [tilespmem:v13+s14+$0x0], $0xffff;
	v13 =	vand.u32 $0x7FFFFFFF, v11;
	(pc) =	sbr.rel @p0 .LBB2_4-.Ltmp1, $4  }
0xfe: {  	v16 =	vadd.s32 $0x10, v16;
	v15 =	vsub.f32 $0.0e+00, v13;
	v13 =	vsub.f32 $0.0e+00, v18  }
0xff: {  	vm1 =	vgt.s32 v16, $0xC7;
	v22 =	vmul.f32 $3.010224740e-02, v12;
	v18 =	vld.idx.msk [tilespmem:v19+s14+$0x0], $0xffff;
	v19 =	vadd.f32 $-2.806291580e-01, v21  }
0x100: {  	v8 =	vadd.f32 v20, v8;
	v21 =	vsel vm1, $0x1, v5;
	v13 =	vmul.f32 $1.442695020e+00, v13  }
0x101: {  	v16 =	vsel vm1, v24, v16;
	v20 =	vadd.f32 $-2.806291580e-01, v22;
	v14 =	vadd.s32 v21, v14  }
0x102: {  	_ =	sdelay $0x3  }
0x103: {  	v14 =	vld.idx.msk [tilespmem:v3+s15+$0x0], $0xffff;
	vm1 =	vlt.s32 v17, $0x6200  }
0x104: {  	v16 =	vadd.s32 $0xFFFF9E00, v17;
	v21 =	vld.idx.msk [tilespmem:v4+s15+$0x0], $0xffff;
	v15 =	vmul.f32 $1.442695020e+00, v15;
	v19 =	vmul.f32 v19, v9  }
0x105: {  	v16 =	vsel vm1, v17, v16;
	v20 =	vmul.f32 v20, v12;
	vm2 =	vlt.s32 v18, $0x6200  }
0x106: {  	v59 =	vadd.s32 $0xFFFF9E00, v18;
	(erf) = vpow2.f32 v15;
	v19 =	vadd.f32 $1.104796530e+00, v19  }
0x107: {  	v17 =	vsel vm2, v18, v59;
	v62 =	vadd.f32 $1.104796530e+00, v20  }
0x108: {  	v19 =	vmul.f32 v19, v9;
	vm3 =	vlt.s32 v14, $0x6200  }
0x109: {  	v60 =	vadd.s32 $0xFFFF9E00, v14;
	v21 =	vnsel vm0, $0x0, v21;
	v15 =	vmul.f32 v62, v12  }
0x10a: {  	v16 =	vld.idx.msk [tilespmem:v16+s13+$0x0], $0xffff;
	v14 =	vsel vm3, v14, v60;
	vm4 =	vlt.s32 v21, $0x6200;
	v61 =	vadd.s32 $0xFFFF9E00, v21  }
0x10b: {  	v19 =	vadd.f32 $-2.420793060e+00, v19;
	v18 =	vsel vm4, v21, v61  }
0x10c: {  	v25 =	vadd.f32 $-2.420793060e+00, v15;
	v17 =	vld.idx.msk [tilespmem:v17+s13+$0x0], $0xffff  }
0x10d: {  	v19 =	vmul.f32 v19, v9  }
0x10e: {  	v7 =	vmax.f32 v7, $0.0e+00;
	(erf) = vpow2.f32 v13;
	v13 =	vmul.f32 v25, v12  }
0x10f: {  	v35 =	vadd.f32 $3.498211860e+00, v19;
	v63 =	vand.u32 $0xFFFF0000, v16;
	v16 =	vshll.u32 v16, $0x10;
	v14 =	vld.idx.msk [tilespmem:v14+s13+$0x0], $0xffff;
	v29 =	vpop (erf)  }
0x110: {  	v13 =	vadd.f32 $3.498211860e+00, v13;
	v16 =	vsel vm1, v16, v63;
	v18 =	vld.idx.msk [tilespmem:v18+s13+$0x0], $0xffff;
	v21 =	vadd.f32 $1.000000000e+00, v29  }
0x111: {  	v37 =	vmul.f32 v35, v9;
	v24 =	vshll.u32 v17, $0x10;
	v17 =	vand.u32 $0xFFFF0000, v17  }
0x112: {  	v26 =	vand.u32 $0x7FFFFFFF, v16;
	v33 =	vmul.f32 v13, v12;
	v17 =	vsel vm2, v24, v17  }
0x113: {  	v15 =	vsub.f32 $0.0e+00, v26;
	v23 =	vmul.f32 $3.010224740e-02, v21;
	v20 =	vand.u32 $0x7FFFFFFF, v17  }
0x114: {  	v20 =	vsub.f32 $0.0e+00, v20;
	v27 =	vshll.u32 v14, $0x10;
	v14 =	vand.u32 $0xFFFF0000, v14  }
0x115: {  	v14 =	vsel vm3, v27, v14;
	v28 =	vshll.u32 v18, $0x10;
	v18 =	vand.u32 $0xFFFF0000, v18  }
0x116: {  	v23 =	vadd.f32 $-2.806291580e-01, v23;
	v14 =	vsub.f32 $0.0e+00, v14;
	v18 =	vsel vm4, v28, v18  }
0x117: {  	v12 =	vadd.f32 $-1.931666370e+00, v33;
	v20 =	vmul.f32 $1.442695020e+00, v20;
	v18 =	vsub.f32 $0.0e+00, v18  }
0x118: {  	v15 =	vmul.f32 $1.442695020e+00, v15;
	v36 =	vmul.f32 v23, v21;
	v30 =	vand.u32 $0x7FFFFFFF, v14  }
0x119: {  	(erf) = vpow2.f32 v20;
	v20 =	vsub.f32 $0.0e+00, v30;
	v22 =	vand.u32 $0x7FFFFFFF, v18  }
0x11a: {  	v38 =	vadd.f32 $1.104796530e+00, v36;
	(erf) = vpow2.f32 v15;
	v22 =	vsub.f32 $0.0e+00, v22  }
0x11b: {  	v6 =	vmax.f32 v6, $0.0e+00;
	v9 =	vadd.f32 $-1.931666370e+00, v37;
	v31 =	vmul.f32 $1.442695020e+00, v20  }
0x11c: {  	v32 =	vpop (erf);
	v7 =	vadd.f32 v12, v7;
	v15 =	vmul.f32 v38, v21;
	v22 =	vmul.f32 $1.442695020e+00, v22  }
0x11d: {  	v34 =	vadd.f32 $1.000000000e+00, v32;
	v6 =	vadd.f32 v9, v6;
	(erf) = vpow2.f32 v31  }
0x11e: {  	v7 =	vadd.f32 v7, v8;
	v43 =	vadd.f32 $-2.420793060e+00, v15;
	(erf) = vpow2.f32 v22  }
0x11f: {  	v20 =	vmul.f32 $3.010224740e-02, v34  }
0x120: {  	v6 =	vadd.f32 v6, v7;
	v7 =	vmul.f32 v43, v21  }
0x121: {  	v40 =	vadd.f32 $-2.806291580e-01, v20  }
0x122: {  	v7 =	vadd.f32 $3.498211860e+00, v7;
	v39 =	vpop (erf)  }
0x123: {  	v41 =	vmul.f32 v40, v34;
	v19 =	vadd.f32 $1.000000000e+00, v39;
	v42 =	vpop (erf)  }
0x124: {  	v7 =	vmul.f32 v7, v21;
	v12 =	vadd.f32 $1.000000000e+00, v42  }
0x125: {  	v8 =	vadd.f32 $1.104796530e+00, v41;
	v44 =	vmul.f32 $3.010224740e-02, v19  }
0x126: {  	v7 =	vadd.f32 $-1.931666370e+00, v7;
	v47 =	vmul.f32 $3.010224740e-02, v12;
	v46 =	vpop (erf)  }
0x127: {  	v8 =	vmul.f32 v8, v34;
	v45 =	vadd.f32 $-2.806291580e-01, v44;
	v15 =	vadd.f32 $1.000000000e+00, v46;
	v22 =	vpop (erf)  }
0x128: {  	v11 =	vmax.f32 v11, $0.0e+00;
	v20 =	vadd.f32 $-2.806291580e-01, v47;
	v22 =	vadd.f32 $1.000000000e+00, v22  }
0x129: {  	v8 =	vadd.f32 $-2.420793060e+00, v8;
	v9 =	vmul.f32 v45, v19;
	v48 =	vmul.f32 $3.010224740e-02, v15  }
0x12a: {  	v7 =	vadd.f32 v7, v11;
	v20 =	vmul.f32 v20, v12;
	v49 =	vmul.f32 $3.010224740e-02, v22  }
0x12b: {  	v9 =	vadd.f32 $1.104796530e+00, v9;
	v23 =	vadd.f32 $-2.806291580e-01, v48  }
0x12c: {  	v8 =	vmul.f32 v8, v34;
	v20 =	vadd.f32 $1.104796530e+00, v20;
	v21 =	vadd.f32 $-2.806291580e-01, v49  }
0x12d: {  	v6 =	vadd.f32 v7, v6;
	v9 =	vmul.f32 v9, v19;
	v23 =	vmul.f32 v23, v15  }
0x12e: {  	v8 =	vadd.f32 $3.498211860e+00, v8;
	v50 =	vmul.f32 v20, v12;
	v21 =	vmul.f32 v21, v22  }
0x12f: {  	v9 =	vadd.f32 $-2.420793060e+00, v9;
	v51 =	vadd.f32 $1.104796530e+00, v23  }
0x130: {  	v8 =	vmul.f32 v8, v34;
	v7 =	vadd.f32 $-2.420793060e+00, v50;
	v52 =	vadd.f32 $1.104796530e+00, v21  }
0x131: {  	v9 =	vmul.f32 v9, v19;
	v53 =	vmul.f32 v51, v15  }
0x132: {  	v8 =	vadd.f32 $-1.931666370e+00, v8;
	v7 =	vmul.f32 v7, v12;
	v13 =	vmul.f32 v52, v22  }
0x133: {  	v9 =	vadd.f32 $3.498211860e+00, v9;
	v11 =	vadd.f32 $-2.420793060e+00, v53  }
0x134: {  	v7 =	vadd.f32 $3.498211860e+00, v7;
	v54 =	vadd.f32 $-2.420793060e+00, v13  }
0x135: {  	v10 =	vmax.f32 v10, $0.0e+00;
	v9 =	vmul.f32 v9, v19;
	v11 =	vmul.f32 v11, v15  }
0x136: {  	v8 =	vadd.f32 v8, v10;
	v7 =	vmul.f32 v7, v12;
	v56 =	vmul.f32 v54, v22  }
0x137: {  	v59 =	vmax.f32 v16, $0.0e+00;
	v55 =	vadd.f32 $-1.931666370e+00, v9;
	v11 =	vadd.f32 $3.498211860e+00, v11  }
0x138: {  	v57 =	vmax.f32 v17, $0.0e+00;
	v7 =	vadd.f32 $-1.931666370e+00, v7;
	v9 =	vadd.f32 $3.498211860e+00, v56  }
0x139: {  	v6 =	vadd.f32 v8, v6;
	v8 =	vadd.f32 v55, v57;
	v58 =	vmul.f32 v11, v15  }
0x13a: {  	v7 =	vadd.f32 v7, v59;
	v60 =	vmul.f32 v9, v22  }
0x13b: {  	v6 =	vadd.f32 v8, v6;
	v61 =	vadd.f32 $-1.931666370e+00, v58  }
0x13c: {  	v62 =	vmax.f32 v14, $0.0e+00;
	v8 =	vadd.f32 $-1.931666370e+00, v60  }
0x13d: {  	v63 =	vmax.f32 v18, $0.0e+00;
	v6 =	vadd.f32 v7, v6;
	v7 =	vadd.f32 v61, v62  }
0x13e: {  	v8 =	vadd.f32 v8, v63  }
0x13f: {  	v6 =	vadd.f32 v7, v6  }
0x140: {  	v7 =	vnsel vm0, $0x0, v8  }
0x141: {  	v6 =	vadd.f32 v7, v6;
	_ =	sdelay $0x1  }
0x142: {  	s21 =	sadd.s32 $0x1, s21;
	v6 =	vmul.f32 $7.812500120e-04, v6  }
0x143: {  	p0 =	sne.s32 s21, s9  }
.Ltmp2:
0x144: {  	[tilespmem:$0x11400] =	vst v6;
	(pc) =	sbr.rel @p0 .LBB2_1-.Ltmp2, $4  }
0x145: {  	[hbm4b:s8+s2] =	stream.linear.scatter [tilespmem:s19], [sflag:$0x4], $0x80, $0x38;
	[tilespmem:$0x11480] =	vst v63  }
0x146: {  	_ =	swait.ge [sflag:s20], $0x80  }
0x147: {  	[sflag:s20] =	ssyncset.done $0x0  }
0x148: {  	[sflag:s20] =	ssyncadd.s32 $0xFFFFFF80  }
0x149: {  	_ =	sfence.sel $0x180000  }
0x14a: {  	[bflag:$0x0] =	sbarrier.arrive $0xFFFF  }
0x14b: {  	p0 =	sne.s32 s1, $0x0;
	_ =	strace $0x90000047  }
0x14c: {  	s0 =	sadd.s32 @!p0 $0x100000, s0;
	[bflag:$0x2] =	sbarrier.arrive $0xFFFF  }
0x14d: {  	[sflag:s0] =	ssyncadd.tile.s32 @!p0 $0x1;
	_ =	shalt  }
.Lfunc_end2:
_tile_overlayer_lowered:
.L_overlay_start_2:
0x14e: {  	(tag) =	ssettag $0x2  }
0x14f: {  	s0 =	rddreg [dreg:$0x0];
	s2 =	stileid.u32  }
0x150: {  	s1 =	rddreg [dreg:$0x1];
	p0 =	sne.s32 s2, $0x0  }
0x151: {  	s3 =	rddreg [dreg:$0x2];
	[bflag:$0x3] =	sbarrier.arrive $0xFFFF;
	s2 =	simm.s32 @!p0 $0x1C04  }
0x152: {  	[timem:s3], [sflag:s2] =	dma.local @!p0 [hbm:s0], s1  }
0x153: {  	s0 =	simm.s32 @!p0 $0x4  }
0x154: {  	_ =	swait.ge @!p0 [sflag:s0], s1  }
0x155: {  	s1 =	ssub.s32 @!p0 $0x0, s1;
	[sflag:s0] =	ssyncset.done @!p0 $0x0  }
0x156: {  	[sflag:s0] =	ssyncadd.s32 @!p0 s1  }
0x157: {  	[bflag:$0x3] =	sbarrier.arrive $0xFFFF  }
0x158: {  	_ =	shalt  }

</sc_bundles>
